<compile_context>
chip_gen: v7x
topology: tpu7x:2x2x1
jax: 0.10.2.dev20260603
libtpu: 0.0.44.dev20260713+nightly
codegen_flags: <defaults>
</compile_context>

<pallas_src>
import math

import jax
import jax.numpy as jnp
import numpy as np
from jax import lax
from jax.experimental import pallas as pl
from jax.experimental.pallas import tpu as pltpu
from jax.experimental.pallas import tpu_sc as plsc

VOCAB = 1000000
SIZE = 64
MAX_SEQ_LEN = 1000
BATCH = 4096
SEQ = 200

NUM_CORES = 2
NUM_SUBCORES = 16
NUM_WORKERS = NUM_CORES * NUM_SUBCORES

WIN = 256
FULL_WINS = VOCAB // WIN
REM = VOCAB - FULL_WINS * WIN
MAX_K = (FULL_WINS + NUM_WORKERS - 1) // NUM_WORKERS

SPAD = WIN + 1
GPAD = 129
PEPAD = 17

SCALE = math.sqrt(SIZE)


def _make_pe():
    pe = np.zeros((MAX_SEQ_LEN, SIZE), dtype=np.float32)
    position = np.arange(0, MAX_SEQ_LEN, dtype=np.float32)[:, None]
    div_term = np.exp(
        np.arange(0, SIZE, 2, dtype=np.float32) * -(math.log(10000.0) / SIZE))
    pe[:, 0::2] = np.sin(position * div_term)
    pe[:, 1::2] = np.cos(position * div_term)
    return pe[:SEQ]


_PE = _make_pe()
_PEBC = np.repeat(_PE[:, :, None], 16, axis=2)


def _detile_body(tabT_hbm, tail2_hbm, scr_hbm, src0, src1, dst0, dst1, dst_r,
                 ls0, ls1, os0, os1, rs):
    wid = lax.axis_index("s") * NUM_CORES + lax.axis_index("c")
    iota = lax.iota(jnp.int32, 16)
    rows_c = [iota + 16 * c for c in range(SIZE // 16)]

    srcs = (src0, src1)
    dsts = (dst0, dst1)
    lsems = (ls0, ls1)
    osems = (os0, os1)

    def win_id(k):
        return k * NUM_WORKERS + wid

    def load(k, b):
        w = win_id(k)

        @pl.when(w < FULL_WINS)
        def _():
            pltpu.make_async_copy(
                tabT_hbm.at[:, pl.ds(w * WIN, WIN)],
                srcs[b].at[:, pl.ds(0, WIN)], lsems[b]).start()

    def load_wait(k, b):
        w = win_id(k)

        @pl.when(w < FULL_WINS)
        def _():
            pltpu.make_async_copy(
                tabT_hbm.at[:, pl.ds(w * WIN, WIN)],
                srcs[b].at[:, pl.ds(0, WIN)], lsems[b]).wait()

    def store(k, b):
        w = win_id(k)

        @pl.when(w < FULL_WINS)
        def _():
            pltpu.make_async_copy(
                dsts[b], scr_hbm.at[pl.ds(w * (WIN // 2), WIN // 2)],
                osems[b]).start()

    def store_wait(k, b):
        w = win_id(k)

        @pl.when(w < FULL_WINS)
        def _():
            pltpu.make_async_copy(
                dsts[b], scr_hbm.at[pl.ds(w * (WIN // 2), WIN // 2)],
                osems[b]).wait()

    def transpose(src, dst, nv):
        def v_body(v, _):
            colv = lax.broadcast(v, (16,))
            j = lax.shift_right_logical(v, 1)
            pcol = lax.rem(v, 2) * SIZE
            vals = [plsc.load_gather(src, [rows_c[c], colv])
                    for c in range(SIZE // 16)]
            for c in range(SIZE // 16):
                dst[j, pl.ds(pcol + c * 16, 16)] = vals[c]
            return 0
        lax.fori_loop(0, nv, v_body, 0, unroll=8)

    load(0, 0)
    load(1, 1)

    def step(k, _):
        for bb in range(2):
            @pl.when(lax.rem(k, 2) == bb)
            def _():
                @pl.when(win_id(k) < FULL_WINS)
                def _():
                    load_wait(k, bb)

                    @pl.when(k >= 2)
                    def _():
                        store_wait(k - 2, bb)

                    transpose(srcs[bb], dsts[bb], WIN)
                    store(k, bb)
                load(k + 2, bb)
        return 0

    lax.fori_loop(0, MAX_K, step, 0)
    store_wait(MAX_K - 2, (MAX_K - 2) % 2)
    store_wait(MAX_K - 1, (MAX_K - 1) % 2)

    @pl.when(wid == 0)
    def _():
        pltpu.make_async_copy(tail2_hbm, dst_r, rs).start()
        pltpu.make_async_copy(tail2_hbm, dst_r, rs).wait()
        pltpu.make_async_copy(
            dst_r, scr_hbm.at[pl.ds(FULL_WINS * (WIN // 2), REM // 2)],
            rs).start()
        pltpu.make_async_copy(
            dst_r, scr_hbm.at[pl.ds(FULL_WINS * (WIN // 2), REM // 2)],
            rs).wait()


NBUF = 2


def _lookup_body(scr_hbm, xT_hbm, pebc_hbm, out_hbm,
                 x_v, pebc0, pebc1, pov_v,
                 idx0, idx1, g0, g1, o0, o1,
                 gs0, gs1, ws0, ws1, ps0, ps1):
    wid = lax.axis_index("s") * NUM_CORES + lax.axis_index("c")
    b0 = wid * 128
    pltpu.sync_copy(xT_hbm.at[:, pl.ds(b0, 128)], x_v)
    iota = lax.iota(jnp.int32, 16)

    idxs = (idx0, idx1)
    pebcs = (pebc0, pebc1)
    gbufs = (g0, g1)
    obufs = (o0, o1)
    gsems = (gs0, gs1)
    wsems = (ws0, ws1)
    psems = (ps0, ps1)

    def prep_and_fire(l, b):
        for g in range(8):
            xv = x_v[l, pl.ds(g * 16, 16)]
            idxs[b][pl.ds(g * 16, 16)] = lax.shift_right_logical(xv, 1)
        pltpu.make_async_copy(
            scr_hbm.at[idxs[b]], gbufs[b].at[:, pl.ds(0, 128)],
            gsems[b]).start()
        pltpu.make_async_copy(pebc_hbm.at[l], pebcs[b], psems[b]).start()

    def gather_wait(l, b):
        pltpu.make_async_copy(
            scr_hbm.at[idxs[b]], gbufs[b].at[:, pl.ds(0, 128)],
            gsems[b]).wait()
        pltpu.make_async_copy(pebc_hbm.at[l], pebcs[b], psems[b]).wait()

    def out_store(l, b):
        pltpu.make_async_copy(
            obufs[b], out_hbm.at[l, :, pl.ds(b0, 128)], wsems[b]).start()

    def out_wait(l, b):
        pltpu.make_async_copy(
            obufs[b], out_hbm.at[l, :, pl.ds(b0, 128)], wsems[b]).wait()

    for i in range(NBUF):
        prep_and_fire(i, i)

    def step(l, _):
        for g in range(8):
            xv = x_v[l, pl.ds(g * 16, 16)]
            pov_v[pl.ds(g * 16, 16)] = lax.rem(xv, 2) * SIZE

        for bb in range(NBUF):
            @pl.when(lax.rem(l, NBUF) == bb)
            def _():
                ob = bb % 2
                gather_wait(l, bb)

                @pl.when(l >= 2)
                def _():
                    out_wait(l - 2, ob)

                def g16(g, _):
                    row_v = iota + g * 16
                    pov = pov_v[pl.ds(g * 16, 16)]

                    def d8_body(dq, _):
                        d0 = dq * 8
                        dd = [d0 + i for i in range(8)]
                        vals = [plsc.load_gather(gbufs[bb], [row_v, pov + d])
                                for d in dd]
                        pes = [pebcs[bb][d, pl.ds(0, 16)] for d in dd]
                        for i, d in enumerate(dd):
                            obufs[ob][d, pl.ds(g * 16, 16)] = (
                                vals[i] * SCALE + pes[i])
                        return 0
                    lax.fori_loop(0, SIZE // 8, d8_body, 0, unroll=2)
                    return 0
                lax.fori_loop(0, 8, g16, 0)
                out_store(l, ob)

                @pl.when(l + NBUF < SEQ)
                def _():
                    prep_and_fire(l + NBUF, bb)
        return 0

    lax.fori_loop(0, SEQ, step, 0)
    out_wait(SEQ - 2, 0)
    out_wait(SEQ - 1, 1)


@jax.jit
def kernel(x, emb_table):
    mesh = plsc.VectorSubcoreMesh(core_axis_name="c", subcore_axis_name="s")
    tabT = emb_table.T
    xT = x.T.astype(jnp.int32)
    pebc_all = jnp.asarray(_PEBC)
    scr = emb_table.reshape(VOCAB // 2, 128)

    outT = pl.kernel(
        _lookup_body,
        out_type=jax.ShapeDtypeStruct((SEQ, SIZE, BATCH), jnp.float32),
        mesh=mesh,
        compiler_params=pltpu.CompilerParams(needs_layout_passes=False),
        scratch_types=(
            [pltpu.VMEM((SEQ, 128), jnp.int32)]
            + [pltpu.VMEM((SIZE, 16), jnp.float32) for _ in range(2)]
            + [pltpu.VMEM((128,), jnp.int32)]
            + [pltpu.VMEM((128,), jnp.int32) for _ in range(2)]
            + [pltpu.VMEM((128, GPAD), jnp.float32) for _ in range(2)]
            + [pltpu.VMEM((SIZE, 128), jnp.float32) for _ in range(2)]
            + [pltpu.SemaphoreType.DMA for _ in range(6)]
        ),
    )(scr, xT, pebc_all)

    return outT.transpose(2, 0, 1)

# --- scband reference (transcript-rebuilt; emitter-appended) ---
"""Pipeline reference for scband-positional-embedding-13322988552232 (READ-ONLY COPY).

The authoritative reference and input builder live on the scoring server;
editing this copy changes nothing except your own understanding.
"""

import jax, jax.numpy as jnp
import numpy as np
import math

VOCAB = 1000000
SIZE = 64
MAX_SEQ_LEN = 1000
BATCH = 4096
SEQ = 200


def _make_pe(max_seq_len, size):
    pe = np.zeros((max_seq_len, size), dtype=np.float32)
    position = np.arange(0, max_seq_len, dtype=np.float32)[:, None]
    div_term = np.exp(np.arange(0, size, 2, dtype=np.float32) * -(math.log(10000.0) / size))
    pe[:, 0::2] = np.sin(position * div_term)
    pe[:, 1::2] = np.cos(position * div_term)
    return jnp.asarray(pe)


def setup_inputs(seed: int = 0) -> dict:
    key = jax.random.key(seed)
    k1, k2 = jax.random.split(key)
    x = jax.random.randint(k1, (BATCH, SEQ), 0, VOCAB, dtype=jnp.int64 if jax.config.jax_enable_x64 else jnp.int32)
    emb_table = jax.random.normal(k2, (VOCAB, SIZE), dtype=jnp.float32) * 0.02
    return {"x": x, "emb_table": emb_table}


def reference(x, emb_table):
    # Embedding lookup (gather)
    h = jnp.take(emb_table, x, axis=0)  # [B, L, SIZE]
    # scale=True: multiply by sqrt(size)
    h = math.sqrt(SIZE) * h
    # Absolute sinusoidal positional encoding (add pe[:L])
    pe = _make_pe(MAX_SEQ_LEN, SIZE)
    h = h + pe[: h.shape[1]][None, :, :]
    # dropout=0.0 -> identity
    return h

if __name__ == "__main__":
    import jax
    _d = setup_inputs()
    print(jax.jit(kernel)(*tuple(_d.values())))

</pallas_src>

<mosaic_0001>
#map = affine_map<(d0, d1) -> (0, 0)>
#map1 = affine_map<(d0, d1) -> (0, 0, 0)>
module attributes {stable_mosaic.version = 14 : i64} {
  func.func @_lookup_body(%arg0: i32, %arg1: i32, %arg2: memref<500000x128xf32, #tpu.memory_space<hbm>>, %arg3: memref<200x4096xi32, #tpu.memory_space<hbm>>, %arg4: memref<200x64x16xf32, #tpu.memory_space<hbm>>, %arg5: memref<200x64x4096xf32, #tpu.memory_space<hbm>>, %arg6: memref<200x128xi32, #tpu.memory_space<vmem>>, %arg7: memref<64x16xf32, #tpu.memory_space<vmem>>, %arg8: memref<64x16xf32, #tpu.memory_space<vmem>>, %arg9: memref<128xi32, #tpu.memory_space<vmem>>, %arg10: memref<128xi32, #tpu.memory_space<vmem>>, %arg11: memref<128xi32, #tpu.memory_space<vmem>>, %arg12: memref<128x129xf32, #tpu.memory_space<vmem>>, %arg13: memref<128x129xf32, #tpu.memory_space<vmem>>, %arg14: memref<64x128xf32, #tpu.memory_space<vmem>>, %arg15: memref<64x128xf32, #tpu.memory_space<vmem>>, %arg16: memref<!tpu.dma_semaphore, #tpu.memory_space<semaphore_mem>>, %arg17: memref<!tpu.dma_semaphore, #tpu.memory_space<semaphore_mem>>, %arg18: memref<!tpu.dma_semaphore, #tpu.memory_space<semaphore_mem>>, %arg19: memref<!tpu.dma_semaphore, #tpu.memory_space<semaphore_mem>>, %arg20: memref<!tpu.dma_semaphore, #tpu.memory_space<semaphore_mem>>, %arg21: memref<!tpu.dma_semaphore, #tpu.memory_space<semaphore_mem>>) attributes {dimension_semantics = [#tpu.dimension_semantics<core_parallel>, #tpu.dimension_semantics<subcore_parallel>], iteration_bounds = array<i64: 2, 16>, scalar_prefetch = 0 : i64, scratch_operands = 16 : i64, tpu.core_type = #tpu.core_type<sc_vector_subcore>, window_params = [{transform_indices = #map}, {transform_indices = #map}, {transform_indices = #map1}, {transform_indices = #map1}]} {
    %mul3A = arith.constant 2 : i32
    %mul3A_0 = arith.muli %arg1, %mul3A : i32
    %add3A = arith.addi %mul3A_0, %arg0 : i32
    %mul3A_1 = arith.constant 128 : i32
    %mul3A_2 = arith.muli %add3A, %mul3A_1 : i32
    "tpu.region"() ({
      %run_scoped3A = tpu.sem_alloc : memref<!tpu.dma_semaphore, #tpu.memory_space<semaphore_mem>>
      %dma_start3A_192 = arith.constant 0 : i32
      %dma_start3A_193 = tpu.memref_slice %arg3[%dma_start3A_192, %mul3A_2] : memref<200x4096xi32, #tpu.memory_space<hbm>> -> memref<200x128xi32, #tpu.memory_space<hbm>>
      %dma_start3A_194 = arith.constant 0 : i32
      %dma_start3A_195 = tpu.memref_slice %arg3[%dma_start3A_194, %mul3A_2] : memref<200x4096xi32, #tpu.memory_space<hbm>> -> memref<200x128xi32, #tpu.memory_space<hbm>>
      tpu.enqueue_dma source(%dma_start3A_195 : memref<200x128xi32, #tpu.memory_space<hbm>>) target(%arg6 : memref<200x128xi32, #tpu.memory_space<vmem>>) target_semaphore(%run_scoped3A : memref<!tpu.dma_semaphore, #tpu.memory_space<semaphore_mem>>)
      %dma_wait3A_196 = arith.constant 0 : i32
      %dma_wait3A_197 = tpu.memref_slice %arg3[%dma_wait3A_196, %mul3A_2] : memref<200x4096xi32, #tpu.memory_space<hbm>> -> memref<200x128xi32, #tpu.memory_space<hbm>>
      %dma_wait3A_198 = arith.constant 0 : i32
      %dma_wait3A_199 = tpu.memref_slice %arg3[%dma_wait3A_198, %mul3A_2] : memref<200x4096xi32, #tpu.memory_space<hbm>> -> memref<200x128xi32, #tpu.memory_space<hbm>>
      tpu.wait_dma2 semaphore(%run_scoped3A : memref<!tpu.dma_semaphore, #tpu.memory_space<semaphore_mem>>) src(%dma_wait3A_199 : memref<200x128xi32, #tpu.memory_space<hbm>>) dst(%arg6 : memref<200x128xi32, #tpu.memory_space<vmem>>)
      tpu.yield
    }) : () -> ()
    %iota3A = tpu.iota {dimensions = array<i32: 0>} : vector<16xi32>
    %get3A = arith.constant 0 : i32
    %get3A_3 = arith.index_cast %get3A : i32 to index
    %get3A_4 = arith.constant 0 : index
    %get3A_5 = tpu.vector_load %arg6[%get3A_3, %get3A_4] {strides = array<i32>} : memref<200x128xi32, #tpu.memory_space<vmem>>, vector<16xi32>,
    %shift_right_logical3A = arith.constant 1 : i32
    %shift_right_logical3A_6 = vector.broadcast %shift_right_logical3A : i32 to vector<16xi32>
    %shift_right_logical3A_7 = arith.shrui %get3A_5, %shift_right_logical3A_6 : vector<16xi32>
    %swap3A = arith.constant 0 : index
    %swap3A_8 = tpu.vector_load %arg10[%swap3A] {strides = array<i32>} : memref<128xi32, #tpu.memory_space<vmem>>, vector<16xi32>,
    tpu.vector_store %arg10[%swap3A], %shift_right_logical3A_7 {strides = array<i32>} : memref<128xi32, #tpu.memory_space<vmem>>, vector<16xi32>,
    %get3A_9 = arith.constant 0 : i32
    %get3A_10 = arith.index_cast %get3A_9 : i32 to index
    %get3A_11 = arith.constant 16 : index
    %get3A_12 = tpu.vector_load %arg6[%get3A_10, %get3A_11] {strides = array<i32>} : memref<200x128xi32, #tpu.memory_space<vmem>>, vector<16xi32>,
    %shift_right_logical3A_13 = arith.constant 1 : i32
    %shift_right_logical3A_14 = vector.broadcast %shift_right_logical3A_13 : i32 to vector<16xi32>
    %shift_right_logical3A_15 = arith.shrui %get3A_12, %shift_right_logical3A_14 : vector<16xi32>
    %swap3A_16 = arith.constant 16 : index
    %swap3A_17 = tpu.vector_load %arg10[%swap3A_16] {strides = array<i32>} : memref<128xi32, #tpu.memory_space<vmem>>, vector<16xi32>,
    tpu.vector_store %arg10[%swap3A_16], %shift_right_logical3A_15 {strides = array<i32>} : memref<128xi32, #tpu.memory_space<vmem>>, vector<16xi32>,
    %get3A_18 = arith.constant 0 : i32
    %get3A_19 = arith.index_cast %get3A_18 : i32 to index
    %get3A_20 = arith.constant 32 : index
    %get3A_21 = tpu.vector_load %arg6[%get3A_19, %get3A_20] {strides = array<i32>} : memref<200x128xi32, #tpu.memory_space<vmem>>, vector<16xi32>,
    %shift_right_logical3A_22 = arith.constant 1 : i32
    %shift_right_logical3A_23 = vector.broadcast %shift_right_logical3A_22 : i32 to vector<16xi32>
    %shift_right_logical3A_24 = arith.shrui %get3A_21, %shift_right_logical3A_23 : vector<16xi32>
    %swap3A_25 = arith.constant 32 : index
    %swap3A_26 = tpu.vector_load %arg10[%swap3A_25] {strides = array<i32>} : memref<128xi32, #tpu.memory_space<vmem>>, vector<16xi32>,
    tpu.vector_store %arg10[%swap3A_25], %shift_right_logical3A_24 {strides = array<i32>} : memref<128xi32, #tpu.memory_space<vmem>>, vector<16xi32>,
    %get3A_27 = arith.constant 0 : i32
    %get3A_28 = arith.index_cast %get3A_27 : i32 to index
    %get3A_29 = arith.constant 48 : index
    %get3A_30 = tpu.vector_load %arg6[%get3A_28, %get3A_29] {strides = array<i32>} : memref<200x128xi32, #tpu.memory_space<vmem>>, vector<16xi32>,
    %shift_right_logical3A_31 = arith.constant 1 : i32
    %shift_right_logical3A_32 = vector.broadcast %shift_right_logical3A_31 : i32 to vector<16xi32>
    %shift_right_logical3A_33 = arith.shrui %get3A_30, %shift_right_logical3A_32 : vector<16xi32>
    %swap3A_34 = arith.constant 48 : index
    %swap3A_35 = tpu.vector_load %arg10[%swap3A_34] {strides = array<i32>} : memref<128xi32, #tpu.memory_space<vmem>>, vector<16xi32>,
    tpu.vector_store %arg10[%swap3A_34], %shift_right_logical3A_33 {strides = array<i32>} : memref<128xi32, #tpu.memory_space<vmem>>, vector<16xi32>,
    %get3A_36 = arith.constant 0 : i32
    %get3A_37 = arith.index_cast %get3A_36 : i32 to index
    %get3A_38 = arith.constant 64 : index
    %get3A_39 = tpu.vector_load %arg6[%get3A_37, %get3A_38] {strides = array<i32>} : memref<200x128xi32, #tpu.memory_space<vmem>>, vector<16xi32>,
    %shift_right_logical3A_40 = arith.constant 1 : i32
    %shift_right_logical3A_41 = vector.broadcast %shift_right_logical3A_40 : i32 to vector<16xi32>
    %shift_right_logical3A_42 = arith.shrui %get3A_39, %shift_right_logical3A_41 : vector<16xi32>
    %swap3A_43 = arith.constant 64 : index
    %swap3A_44 = tpu.vector_load %arg10[%swap3A_43] {strides = array<i32>} : memref<128xi32, #tpu.memory_space<vmem>>, vector<16xi32>,
    tpu.vector_store %arg10[%swap3A_43], %shift_right_logical3A_42 {strides = array<i32>} : memref<128xi32, #tpu.memory_space<vmem>>, vector<16xi32>,
    %get3A_45 = arith.constant 0 : i32
    %get3A_46 = arith.index_cast %get3A_45 : i32 to index
    %get3A_47 = arith.constant 80 : index
    %get3A_48 = tpu.vector_load %arg6[%get3A_46, %get3A_47] {strides = array<i32>} : memref<200x128xi32, #tpu.memory_space<vmem>>, vector<16xi32>,
    %shift_right_logical3A_49 = arith.constant 1 : i32
    %shift_right_logical3A_50 = vector.broadcast %shift_right_logical3A_49 : i32 to vector<16xi32>
    %shift_right_logical3A_51 = arith.shrui %get3A_48, %shift_right_logical3A_50 : vector<16xi32>
    %swap3A_52 = arith.constant 80 : index
    %swap3A_53 = tpu.vector_load %arg10[%swap3A_52] {strides = array<i32>} : memref<128xi32, #tpu.memory_space<vmem>>, vector<16xi32>,
    tpu.vector_store %arg10[%swap3A_52], %shift_right_logical3A_51 {strides = array<i32>} : memref<128xi32, #tpu.memory_space<vmem>>, vector<16xi32>,
    %get3A_54 = arith.constant 0 : i32
    %get3A_55 = arith.index_cast %get3A_54 : i32 to index
    %get3A_56 = arith.constant 96 : index
    %get3A_57 = tpu.vector_load %arg6[%get3A_55, %get3A_56] {strides = array<i32>} : memref<200x128xi32, #tpu.memory_space<vmem>>, vector<16xi32>,
    %shift_right_logical3A_58 = arith.constant 1 : i32
    %shift_right_logical3A_59 = vector.broadcast %shift_right_logical3A_58 : i32 to vector<16xi32>
    %shift_right_logical3A_60 = arith.shrui %get3A_57, %shift_right_logical3A_59 : vector<16xi32>
    %swap3A_61 = arith.constant 96 : index
    %swap3A_62 = tpu.vector_load %arg10[%swap3A_61] {strides = array<i32>} : memref<128xi32, #tpu.memory_space<vmem>>, vector<16xi32>,
    tpu.vector_store %arg10[%swap3A_61], %shift_right_logical3A_60 {strides = array<i32>} : memref<128xi32, #tpu.memory_space<vmem>>, vector<16xi32>,
    %get3A_63 = arith.constant 0 : i32
    %get3A_64 = arith.index_cast %get3A_63 : i32 to index
    %get3A_65 = arith.constant 112 : index
    %get3A_66 = tpu.vector_load %arg6[%get3A_64, %get3A_65] {strides = array<i32>} : memref<200x128xi32, #tpu.memory_space<vmem>>, vector<16xi32>,
    %shift_right_logical3A_67 = arith.constant 1 : i32
    %shift_right_logical3A_68 = vector.broadcast %shift_right_logical3A_67 : i32 to vector<16xi32>
    %shift_right_logical3A_69 = arith.shrui %get3A_66, %shift_right_logical3A_68 : vector<16xi32>
    %swap3A_70 = arith.constant 112 : index
    %swap3A_71 = tpu.vector_load %arg10[%swap3A_70] {strides = array<i32>} : memref<128xi32, #tpu.memory_space<vmem>>, vector<16xi32>,
    tpu.vector_store %arg10[%swap3A_70], %shift_right_logical3A_69 {strides = array<i32>} : memref<128xi32, #tpu.memory_space<vmem>>, vector<16xi32>,
    %dma_start3A = arith.constant 0 : i32
    %dma_start3A_72 = arith.constant 0 : i32
    %dma_start3A_73 = tpu.memref_slice %arg12[%dma_start3A, %dma_start3A_72] : memref<128x129xf32, #tpu.memory_space<vmem>> -> memref<128x128xf32, #tpu.memory_space<vmem>>
    %dma_start3A_74 = arith.constant 0 : i32
    %dma_start3A_75 = arith.constant 0 : i32
    %dma_start3A_76 = tpu.memref_slice %arg2[%dma_start3A_74, %dma_start3A_75] : memref<500000x128xf32, #tpu.memory_space<hbm>> -> memref<500000x128xf32, #tpu.memory_space<hbm>>
    tpu.enqueue_indirect_dma source(%dma_start3A_76 : memref<500000x128xf32, #tpu.memory_space<hbm>>) target(%dma_start3A_73 : memref<128x128xf32, #tpu.memory_space<vmem>>) offsets(%arg10 : memref<128xi32, #tpu.memory_space<vmem>>) semaphore(%arg16 : memref<!tpu.dma_semaphore, #tpu.memory_space<semaphore_mem>>)
    %dma_start3A_77 = arith.constant 0 : i32
    %dma_start3A_78 = arith.constant 0 : i32
    %dma_start3A_79 = arith.constant 0 : i32
    %dma_start3A_80 = tpu.memref_slice %arg4[%dma_start3A_77, %dma_start3A_78, %dma_start3A_79] : memref<200x64x16xf32, #tpu.memory_space<hbm>> -> memref<1x64x16xf32, #tpu.memory_space<hbm>>
    %dma_start3A_81 = tpu.memref_squeeze %dma_start3A_80 : memref<1x64x16xf32, #tpu.memory_space<hbm>> -> memref<64x16xf32, #tpu.memory_space<hbm>>
    %dma_start3A_82 = arith.constant 0 : i32
    %dma_start3A_83 = arith.constant 0 : i32
    %dma_start3A_84 = tpu.memref_slice %arg4[%dma_start3A_77, %dma_start3A_82, %dma_start3A_83] : memref<200x64x16xf32, #tpu.memory_space<hbm>> -> memref<1x64x16xf32, #tpu.memory_space<hbm>>
    %dma_start3A_85 = tpu.memref_squeeze %dma_start3A_84 : memref<1x64x16xf32, #tpu.memory_space<hbm>> -> memref<64x16xf32, #tpu.memory_space<hbm>>
    tpu.enqueue_dma source(%dma_start3A_85 : memref<64x16xf32, #tpu.memory_space<hbm>>) target(%arg7 : memref<64x16xf32, #tpu.memory_space<vmem>>) target_semaphore(%arg20 : memref<!tpu.dma_semaphore, #tpu.memory_space<semaphore_mem>>)
    %get3A_86 = arith.constant 1 : i32
    %get3A_87 = arith.index_cast %get3A_86 : i32 to index
    %get3A_88 = arith.constant 0 : index
    %get3A_89 = tpu.vector_load %arg6[%get3A_87, %get3A_88] {strides = array<i32>} : memref<200x128xi32, #tpu.memory_space<vmem>>, vector<16xi32>,
    %shift_right_logical3A_90 = arith.constant 1 : i32
    %shift_right_logical3A_91 = vector.broadcast %shift_right_logical3A_90 : i32 to vector<16xi32>
    %shift_right_logical3A_92 = arith.shrui %get3A_89, %shift_right_logical3A_91 : vector<16xi32>
    %swap3A_93 = arith.constant 0 : index
    %swap3A_94 = tpu.vector_load %arg11[%swap3A_93] {strides = array<i32>} : memref<128xi32, #tpu.memory_space<vmem>>, vector<16xi32>,
    tpu.vector_store %arg11[%swap3A_93], %shift_right_logical3A_92 {strides = array<i32>} : memref<128xi32, #tpu.memory_space<vmem>>, vector<16xi32>,
    %get3A_95 = arith.constant 1 : i32
    %get3A_96 = arith.index_cast %get3A_95 : i32 to index
    %get3A_97 = arith.constant 16 : index
    %get3A_98 = tpu.vector_load %arg6[%get3A_96, %get3A_97] {strides = array<i32>} : memref<200x128xi32, #tpu.memory_space<vmem>>, vector<16xi32>,
    %shift_right_logical3A_99 = arith.constant 1 : i32
    %shift_right_logical3A_100 = vector.broadcast %shift_right_logical3A_99 : i32 to vector<16xi32>
    %shift_right_logical3A_101 = arith.shrui %get3A_98, %shift_right_logical3A_100 : vector<16xi32>
    %swap3A_102 = arith.constant 16 : index
    %swap3A_103 = tpu.vector_load %arg11[%swap3A_102] {strides = array<i32>} : memref<128xi32, #tpu.memory_space<vmem>>, vector<16xi32>,
    tpu.vector_store %arg11[%swap3A_102], %shift_right_logical3A_101 {strides = array<i32>} : memref<128xi32, #tpu.memory_space<vmem>>, vector<16xi32>,
    %get3A_104 = arith.constant 1 : i32
    %get3A_105 = arith.index_cast %get3A_104 : i32 to index
    %get3A_106 = arith.constant 32 : index
    %get3A_107 = tpu.vector_load %arg6[%get3A_105, %get3A_106] {strides = array<i32>} : memref<200x128xi32, #tpu.memory_space<vmem>>, vector<16xi32>,
    %shift_right_logical3A_108 = arith.constant 1 : i32
    %shift_right_logical3A_109 = vector.broadcast %shift_right_logical3A_108 : i32 to vector<16xi32>
    %shift_right_logical3A_110 = arith.shrui %get3A_107, %shift_right_logical3A_109 : vector<16xi32>
    %swap3A_111 = arith.constant 32 : index
    %swap3A_112 = tpu.vector_load %arg11[%swap3A_111] {strides = array<i32>} : memref<128xi32, #tpu.memory_space<vmem>>, vector<16xi32>,
    tpu.vector_store %arg11[%swap3A_111], %shift_right_logical3A_110 {strides = array<i32>} : memref<128xi32, #tpu.memory_space<vmem>>, vector<16xi32>,
    %get3A_113 = arith.constant 1 : i32
    %get3A_114 = arith.index_cast %get3A_113 : i32 to index
    %get3A_115 = arith.constant 48 : index
    %get3A_116 = tpu.vector_load %arg6[%get3A_114, %get3A_115] {strides = array<i32>} : memref<200x128xi32, #tpu.memory_space<vmem>>, vector<16xi32>,
    %shift_right_logical3A_117 = arith.constant 1 : i32
    %shift_right_logical3A_118 = vector.broadcast %shift_right_logical3A_117 : i32 to vector<16xi32>
    %shift_right_logical3A_119 = arith.shrui %get3A_116, %shift_right_logical3A_118 : vector<16xi32>
    %swap3A_120 = arith.constant 48 : index
    %swap3A_121 = tpu.vector_load %arg11[%swap3A_120] {strides = array<i32>} : memref<128xi32, #tpu.memory_space<vmem>>, vector<16xi32>,
    tpu.vector_store %arg11[%swap3A_120], %shift_right_logical3A_119 {strides = array<i32>} : memref<128xi32, #tpu.memory_space<vmem>>, vector<16xi32>,
    %get3A_122 = arith.constant 1 : i32
    %get3A_123 = arith.index_cast %get3A_122 : i32 to index
    %get3A_124 = arith.constant 64 : index
    %get3A_125 = tpu.vector_load %arg6[%get3A_123, %get3A_124] {strides = array<i32>} : memref<200x128xi32, #tpu.memory_space<vmem>>, vector<16xi32>,
    %shift_right_logical3A_126 = arith.constant 1 : i32
    %shift_right_logical3A_127 = vector.broadcast %shift_right_logical3A_126 : i32 to vector<16xi32>
    %shift_right_logical3A_128 = arith.shrui %get3A_125, %shift_right_logical3A_127 : vector<16xi32>
    %swap3A_129 = arith.constant 64 : index
    %swap3A_130 = tpu.vector_load %arg11[%swap3A_129] {strides = array<i32>} : memref<128xi32, #tpu.memory_space<vmem>>, vector<16xi32>,
    tpu.vector_store %arg11[%swap3A_129], %shift_right_logical3A_128 {strides = array<i32>} : memref<128xi32, #tpu.memory_space<vmem>>, vector<16xi32>,
    %get3A_131 = arith.constant 1 : i32
    %get3A_132 = arith.index_cast %get3A_131 : i32 to index
    %get3A_133 = arith.constant 80 : index
    %get3A_134 = tpu.vector_load %arg6[%get3A_132, %get3A_133] {strides = array<i32>} : memref<200x128xi32, #tpu.memory_space<vmem>>, vector<16xi32>,
    %shift_right_logical3A_135 = arith.constant 1 : i32
    %shift_right_logical3A_136 = vector.broadcast %shift_right_logical3A_135 : i32 to vector<16xi32>
    %shift_right_logical3A_137 = arith.shrui %get3A_134, %shift_right_logical3A_136 : vector<16xi32>
    %swap3A_138 = arith.constant 80 : index
    %swap3A_139 = tpu.vector_load %arg11[%swap3A_138] {strides = array<i32>} : memref<128xi32, #tpu.memory_space<vmem>>, vector<16xi32>,
    tpu.vector_store %arg11[%swap3A_138], %shift_right_logical3A_137 {strides = array<i32>} : memref<128xi32, #tpu.memory_space<vmem>>, vector<16xi32>,
    %get3A_140 = arith.constant 1 : i32
    %get3A_141 = arith.index_cast %get3A_140 : i32 to index
    %get3A_142 = arith.constant 96 : index
    %get3A_143 = tpu.vector_load %arg6[%get3A_141, %get3A_142] {strides = array<i32>} : memref<200x128xi32, #tpu.memory_space<vmem>>, vector<16xi32>,
    %shift_right_logical3A_144 = arith.constant 1 : i32
    %shift_right_logical3A_145 = vector.broadcast %shift_right_logical3A_144 : i32 to vector<16xi32>
    %shift_right_logical3A_146 = arith.shrui %get3A_143, %shift_right_logical3A_145 : vector<16xi32>
    %swap3A_147 = arith.constant 96 : index
    %swap3A_148 = tpu.vector_load %arg11[%swap3A_147] {strides = array<i32>} : memref<128xi32, #tpu.memory_space<vmem>>, vector<16xi32>,
    tpu.vector_store %arg11[%swap3A_147], %shift_right_logical3A_146 {strides = array<i32>} : memref<128xi32, #tpu.memory_space<vmem>>, vector<16xi32>,
    %get3A_149 = arith.constant 1 : i32
    %get3A_150 = arith.index_cast %get3A_149 : i32 to index
    %get3A_151 = arith.constant 112 : index
    %get3A_152 = tpu.vector_load %arg6[%get3A_150, %get3A_151] {strides = array<i32>} : memref<200x128xi32, #tpu.memory_space<vmem>>, vector<16xi32>,
    %shift_right_logical3A_153 = arith.constant 1 : i32
    %shift_right_logical3A_154 = vector.broadcast %shift_right_logical3A_153 : i32 to vector<16xi32>
    %shift_right_logical3A_155 = arith.shrui %get3A_152, %shift_right_logical3A_154 : vector<16xi32>
    %swap3A_156 = arith.constant 112 : index
    %swap3A_157 = tpu.vector_load %arg11[%swap3A_156] {strides = array<i32>} : memref<128xi32, #tpu.memory_space<vmem>>, vector<16xi32>,
    tpu.vector_store %arg11[%swap3A_156], %shift_right_logical3A_155 {strides = array<i32>} : memref<128xi32, #tpu.memory_space<vmem>>, vector<16xi32>,
    %dma_start3A_158 = arith.constant 0 : i32
    %dma_start3A_159 = arith.constant 0 : i32
    %dma_start3A_160 = tpu.memref_slice %arg13[%dma_start3A_158, %dma_start3A_159] : memref<128x129xf32, #tpu.memory_space<vmem>> -> memref<128x128xf32, #tpu.memory_space<vmem>>
    %dma_start3A_161 = arith.constant 0 : i32
    %dma_start3A_162 = arith.constant 0 : i32
    %dma_start3A_163 = tpu.memref_slice %arg2[%dma_start3A_161, %dma_start3A_162] : memref<500000x128xf32, #tpu.memory_space<hbm>> -> memref<500000x128xf32, #tpu.memory_space<hbm>>
    tpu.enqueue_indirect_dma source(%dma_start3A_163 : memref<500000x128xf32, #tpu.memory_space<hbm>>) target(%dma_start3A_160 : memref<128x128xf32, #tpu.memory_space<vmem>>) offsets(%arg11 : memref<128xi32, #tpu.memory_space<vmem>>) semaphore(%arg17 : memref<!tpu.dma_semaphore, #tpu.memory_space<semaphore_mem>>)
    %dma_start3A_164 = arith.constant 1 : i32
    %dma_start3A_165 = arith.constant 0 : i32
    %dma_start3A_166 = arith.constant 0 : i32
    %dma_start3A_167 = tpu.memref_slice %arg4[%dma_start3A_164, %dma_start3A_165, %dma_start3A_166] : memref<200x64x16xf32, #tpu.memory_space<hbm>> -> memref<1x64x16xf32, #tpu.memory_space<hbm>>
    %dma_start3A_168 = tpu.memref_squeeze %dma_start3A_167 : memref<1x64x16xf32, #tpu.memory_space<hbm>> -> memref<64x16xf32, #tpu.memory_space<hbm>>
    %dma_start3A_169 = arith.constant 0 : i32
    %dma_start3A_170 = arith.constant 0 : i32
    %dma_start3A_171 = tpu.memref_slice %arg4[%dma_start3A_164, %dma_start3A_169, %dma_start3A_170] : memref<200x64x16xf32, #tpu.memory_space<hbm>> -> memref<1x64x16xf32, #tpu.memory_space<hbm>>
    %dma_start3A_172 = tpu.memref_squeeze %dma_start3A_171 : memref<1x64x16xf32, #tpu.memory_space<hbm>> -> memref<64x16xf32, #tpu.memory_space<hbm>>
    tpu.enqueue_dma source(%dma_start3A_172 : memref<64x16xf32, #tpu.memory_space<hbm>>) target(%arg8 : memref<64x16xf32, #tpu.memory_space<vmem>>) target_semaphore(%arg21 : memref<!tpu.dma_semaphore, #tpu.memory_space<semaphore_mem>>)
    %scan3A = arith.constant 0 : i32
    %scan3A_173 = arith.constant 0 : i32
    %scan3A_174 = arith.constant 200 : i32
    %scan3A_175 = arith.addi %scan3A_173, %scan3A_174 : i32
    %scan3A_176 = arith.constant 1 : i32
    %scan3A_177 = scf.for %scan3A_192 = %scan3A_173 to %scan3A_175 step %scan3A_176 iter_args(%scan3A_193 = %scan3A) -> (i32)  : i32 {
      %get3A_194 = arith.index_cast %scan3A_192 : i32 to index
      %get3A_195 = arith.constant 0 : index
      %get3A_196 = tpu.vector_load %arg6[%get3A_194, %get3A_195] {strides = array<i32>} : memref<200x128xi32, #tpu.memory_space<vmem>>, vector<16xi32>,
      %rem3A = arith.constant 2 : i32
      %rem3A_197 = vector.broadcast %rem3A : i32 to vector<16xi32>
      %rem3A_198 = arith.remsi %get3A_196, %rem3A_197 : vector<16xi32>
      %mul3A_199 = arith.constant 64 : i32
      %mul3A_200 = vector.broadcast %mul3A_199 : i32 to vector<16xi32>
      %mul3A_201 = arith.muli %rem3A_198, %mul3A_200 : vector<16xi32>
      %swap3A_202 = arith.constant 0 : index
      %swap3A_203 = tpu.vector_load %arg9[%swap3A_202] {strides = array<i32>} : memref<128xi32, #tpu.memory_space<vmem>>, vector<16xi32>,
      tpu.vector_store %arg9[%swap3A_202], %mul3A_201 {strides = array<i32>} : memref<128xi32, #tpu.memory_space<vmem>>, vector<16xi32>,
      %get3A_204 = arith.index_cast %scan3A_192 : i32 to index
      %get3A_205 = arith.constant 16 : index
      %get3A_206 = tpu.vector_load %arg6[%get3A_204, %get3A_205] {strides = array<i32>} : memref<200x128xi32, #tpu.memory_space<vmem>>, vector<16xi32>,
      %rem3A_207 = arith.constant 2 : i32
      %rem3A_208 = vector.broadcast %rem3A_207 : i32 to vector<16xi32>
      %rem3A_209 = arith.remsi %get3A_206, %rem3A_208 : vector<16xi32>
      %mul3A_210 = arith.constant 64 : i32
      %mul3A_211 = vector.broadcast %mul3A_210 : i32 to vector<16xi32>
      %mul3A_212 = arith.muli %rem3A_209, %mul3A_211 : vector<16xi32>
      %swap3A_213 = arith.constant 16 : index
      %swap3A_214 = tpu.vector_load %arg9[%swap3A_213] {strides = array<i32>} : memref<128xi32, #tpu.memory_space<vmem>>, vector<16xi32>,
      tpu.vector_store %arg9[%swap3A_213], %mul3A_212 {strides = array<i32>} : memref<128xi32, #tpu.memory_space<vmem>>, vector<16xi32>,
      %get3A_215 = arith.index_cast %scan3A_192 : i32 to index
      %get3A_216 = arith.constant 32 : index
      %get3A_217 = tpu.vector_load %arg6[%get3A_215, %get3A_216] {strides = array<i32>} : memref<200x128xi32, #tpu.memory_space<vmem>>, vector<16xi32>,
      %rem3A_218 = arith.constant 2 : i32
      %rem3A_219 = vector.broadcast %rem3A_218 : i32 to vector<16xi32>
      %rem3A_220 = arith.remsi %get3A_217, %rem3A_219 : vector<16xi32>
      %mul3A_221 = arith.constant 64 : i32
      %mul3A_222 = vector.broadcast %mul3A_221 : i32 to vector<16xi32>
      %mul3A_223 = arith.muli %rem3A_220, %mul3A_222 : vector<16xi32>
      %swap3A_224 = arith.constant 32 : index
      %swap3A_225 = tpu.vector_load %arg9[%swap3A_224] {strides = array<i32>} : memref<128xi32, #tpu.memory_space<vmem>>, vector<16xi32>,
      tpu.vector_store %arg9[%swap3A_224], %mul3A_223 {strides = array<i32>} : memref<128xi32, #tpu.memory_space<vmem>>, vector<16xi32>,
      %get3A_226 = arith.index_cast %scan3A_192 : i32 to index
      %get3A_227 = arith.constant 48 : index
      %get3A_228 = tpu.vector_load %arg6[%get3A_226, %get3A_227] {strides = array<i32>} : memref<200x128xi32, #tpu.memory_space<vmem>>, vector<16xi32>,
      %rem3A_229 = arith.constant 2 : i32
      %rem3A_230 = vector.broadcast %rem3A_229 : i32 to vector<16xi32>
      %rem3A_231 = arith.remsi %get3A_228, %rem3A_230 : vector<16xi32>
      %mul3A_232 = arith.constant 64 : i32
      %mul3A_233 = vector.broadcast %mul3A_232 : i32 to vector<16xi32>
      %mul3A_234 = arith.muli %rem3A_231, %mul3A_233 : vector<16xi32>
      %swap3A_235 = arith.constant 48 : index
      %swap3A_236 = tpu.vector_load %arg9[%swap3A_235] {strides = array<i32>} : memref<128xi32, #tpu.memory_space<vmem>>, vector<16xi32>,
      tpu.vector_store %arg9[%swap3A_235], %mul3A_234 {strides = array<i32>} : memref<128xi32, #tpu.memory_space<vmem>>, vector<16xi32>,
      %get3A_237 = arith.index_cast %scan3A_192 : i32 to index
      %get3A_238 = arith.constant 64 : index
      %get3A_239 = tpu.vector_load %arg6[%get3A_237, %get3A_238] {strides = array<i32>} : memref<200x128xi32, #tpu.memory_space<vmem>>, vector<16xi32>,
      %rem3A_240 = arith.constant 2 : i32
      %rem3A_241 = vector.broadcast %rem3A_240 : i32 to vector<16xi32>
      %rem3A_242 = arith.remsi %get3A_239, %rem3A_241 : vector<16xi32>
      %mul3A_243 = arith.constant 64 : i32
      %mul3A_244 = vector.broadcast %mul3A_243 : i32 to vector<16xi32>
      %mul3A_245 = arith.muli %rem3A_242, %mul3A_244 : vector<16xi32>
      %swap3A_246 = arith.constant 64 : index
      %swap3A_247 = tpu.vector_load %arg9[%swap3A_246] {strides = array<i32>} : memref<128xi32, #tpu.memory_space<vmem>>, vector<16xi32>,
      tpu.vector_store %arg9[%swap3A_246], %mul3A_245 {strides = array<i32>} : memref<128xi32, #tpu.memory_space<vmem>>, vector<16xi32>,
      %get3A_248 = arith.index_cast %scan3A_192 : i32 to index
      %get3A_249 = arith.constant 80 : index
      %get3A_250 = tpu.vector_load %arg6[%get3A_248, %get3A_249] {strides = array<i32>} : memref<200x128xi32, #tpu.memory_space<vmem>>, vector<16xi32>,
      %rem3A_251 = arith.constant 2 : i32
      %rem3A_252 = vector.broadcast %rem3A_251 : i32 to vector<16xi32>
      %rem3A_253 = arith.remsi %get3A_250, %rem3A_252 : vector<16xi32>
      %mul3A_254 = arith.constant 64 : i32
      %mul3A_255 = vector.broadcast %mul3A_254 : i32 to vector<16xi32>
      %mul3A_256 = arith.muli %rem3A_253, %mul3A_255 : vector<16xi32>
      %swap3A_257 = arith.constant 80 : index
      %swap3A_258 = tpu.vector_load %arg9[%swap3A_257] {strides = array<i32>} : memref<128xi32, #tpu.memory_space<vmem>>, vector<16xi32>,
      tpu.vector_store %arg9[%swap3A_257], %mul3A_256 {strides = array<i32>} : memref<128xi32, #tpu.memory_space<vmem>>, vector<16xi32>,
      %get3A_259 = arith.index_cast %scan3A_192 : i32 to index
      %get3A_260 = arith.constant 96 : index
      %get3A_261 = tpu.vector_load %arg6[%get3A_259, %get3A_260] {strides = array<i32>} : memref<200x128xi32, #tpu.memory_space<vmem>>, vector<16xi32>,
      %rem3A_262 = arith.constant 2 : i32
      %rem3A_263 = vector.broadcast %rem3A_262 : i32 to vector<16xi32>
      %rem3A_264 = arith.remsi %get3A_261, %rem3A_263 : vector<16xi32>
      %mul3A_265 = arith.constant 64 : i32
      %mul3A_266 = vector.broadcast %mul3A_265 : i32 to vector<16xi32>
      %mul3A_267 = arith.muli %rem3A_264, %mul3A_266 : vector<16xi32>
      %swap3A_268 = arith.constant 96 : index
      %swap3A_269 = tpu.vector_load %arg9[%swap3A_268] {strides = array<i32>} : memref<128xi32, #tpu.memory_space<vmem>>, vector<16xi32>,
      tpu.vector_store %arg9[%swap3A_268], %mul3A_267 {strides = array<i32>} : memref<128xi32, #tpu.memory_space<vmem>>, vector<16xi32>,
      %get3A_270 = arith.index_cast %scan3A_192 : i32 to index
      %get3A_271 = arith.constant 112 : index
      %get3A_272 = tpu.vector_load %arg6[%get3A_270, %get3A_271] {strides = array<i32>} : memref<200x128xi32, #tpu.memory_space<vmem>>, vector<16xi32>,
      %rem3A_273 = arith.constant 2 : i32
      %rem3A_274 = vector.broadcast %rem3A_273 : i32 to vector<16xi32>
      %rem3A_275 = arith.remsi %get3A_272, %rem3A_274 : vector<16xi32>
      %mul3A_276 = arith.constant 64 : i32
      %mul3A_277 = vector.broadcast %mul3A_276 : i32 to vector<16xi32>
      %mul3A_278 = arith.muli %rem3A_275, %mul3A_277 : vector<16xi32>
      %swap3A_279 = arith.constant 112 : index
      %swap3A_280 = tpu.vector_load %arg9[%swap3A_279] {strides = array<i32>} : memref<128xi32, #tpu.memory_space<vmem>>, vector<16xi32>,
      tpu.vector_store %arg9[%swap3A_279], %mul3A_278 {strides = array<i32>} : memref<128xi32, #tpu.memory_space<vmem>>, vector<16xi32>,
      %rem3A_281 = arith.constant 2 : i32
      %rem3A_282 = arith.remsi %scan3A_192, %rem3A_281 : i32
      %eq3A = arith.constant 0 : i32
      %eq3A_283 = arith.cmpi eq, %rem3A_282, %eq3A : i32
      %convert_element_type3A = arith.extui %eq3A_283 : i1 to i32
      %cond3A = arith.constant 0 : i32
      %cond3A_284 = arith.cmpi ne, %convert_element_type3A, %cond3A : i32
      scf.if %cond3A_284 {
        %dma_wait3A_293 = arith.constant 0 : i32
        %dma_wait3A_294 = arith.constant 0 : i32
        %dma_wait3A_295 = tpu.memref_slice %arg12[%dma_wait3A_293, %dma_wait3A_294] : memref<128x129xf32, #tpu.memory_space<vmem>> -> memref<128x128xf32, #tpu.memory_space<vmem>>
        %dma_wait3A_296 = arith.constant 0 : i32
        %dma_wait3A_297 = arith.constant 0 : i32
        %dma_wait3A_298 = tpu.memref_slice %arg2[%dma_wait3A_296, %dma_wait3A_297] : memref<500000x128xf32, #tpu.memory_space<hbm>> -> memref<500000x128xf32, #tpu.memory_space<hbm>>
        tpu.wait_indirect_dma semaphore(%arg16 : memref<!tpu.dma_semaphore, #tpu.memory_space<semaphore_mem>>) src(%dma_wait3A_298 : memref<500000x128xf32, #tpu.memory_space<hbm>>) dst(%dma_wait3A_295 : memref<128x128xf32, #tpu.memory_space<vmem>>)
        %dma_wait3A_299 = arith.constant 0 : i32
        %dma_wait3A_300 = arith.constant 0 : i32
        %dma_wait3A_301 = tpu.memref_slice %arg4[%scan3A_192, %dma_wait3A_299, %dma_wait3A_300] : memref<200x64x16xf32, #tpu.memory_space<hbm>> -> memref<1x64x16xf32, #tpu.memory_space<hbm>>
        %dma_wait3A_302 = tpu.memref_squeeze %dma_wait3A_301 : memref<1x64x16xf32, #tpu.memory_space<hbm>> -> memref<64x16xf32, #tpu.memory_space<hbm>>
        %dma_wait3A_303 = arith.constant 0 : i32
        %dma_wait3A_304 = arith.constant 0 : i32
        %dma_wait3A_305 = tpu.memref_slice %arg4[%scan3A_192, %dma_wait3A_303, %dma_wait3A_304] : memref<200x64x16xf32, #tpu.memory_space<hbm>> -> memref<1x64x16xf32, #tpu.memory_space<hbm>>
        %dma_wait3A_306 = tpu.memref_squeeze %dma_wait3A_305 : memref<1x64x16xf32, #tpu.memory_space<hbm>> -> memref<64x16xf32, #tpu.memory_space<hbm>>
        tpu.wait_dma2 semaphore(%arg20 : memref<!tpu.dma_semaphore, #tpu.memory_space<semaphore_mem>>) src(%dma_wait3A_306 : memref<64x16xf32, #tpu.memory_space<hbm>>) dst(%arg7 : memref<64x16xf32, #tpu.memory_space<vmem>>)
        %ge3A = arith.constant 2 : i32
        %ge3A_307 = arith.cmpi sge, %scan3A_192, %ge3A : i32
        %convert_element_type3A_308 = arith.extui %ge3A_307 : i1 to i32
        %cond3A_309 = arith.constant 0 : i32
        %cond3A_310 = arith.cmpi ne, %convert_element_type3A_308, %cond3A_309 : i32
        scf.if %cond3A_310 {
          %sub3A = arith.constant 2 : i32
          %sub3A_330 = arith.subi %scan3A_192, %sub3A : i32
          %dma_wait3A_331 = arith.constant 0 : i32
          %dma_wait3A_332 = tpu.memref_slice %arg5[%sub3A_330, %dma_wait3A_331, %mul3A_2] : memref<200x64x4096xf32, #tpu.memory_space<hbm>> -> memref<1x64x128xf32, #tpu.memory_space<hbm>>
          %dma_wait3A_333 = tpu.memref_squeeze %dma_wait3A_332 : memref<1x64x128xf32, #tpu.memory_space<hbm>> -> memref<64x128xf32, #tpu.memory_space<hbm>>
          %dma_wait3A_334 = arith.constant 0 : i32
          %dma_wait3A_335 = tpu.memref_slice %arg5[%sub3A_330, %dma_wait3A_334, %mul3A_2] : memref<200x64x4096xf32, #tpu.memory_space<hbm>> -> memref<1x64x128xf32, #tpu.memory_space<hbm>>
          %dma_wait3A_336 = tpu.memref_squeeze %dma_wait3A_335 : memref<1x64x128xf32, #tpu.memory_space<hbm>> -> memref<64x128xf32, #tpu.memory_space<hbm>>
          tpu.wait_dma2 semaphore(%arg18 : memref<!tpu.dma_semaphore, #tpu.memory_space<semaphore_mem>>) src(%arg14 : memref<64x128xf32, #tpu.memory_space<vmem>>) dst(%dma_wait3A_336 : memref<64x128xf32, #tpu.memory_space<hbm>>)
        } else {
        }
        %scan3A_311 = arith.constant 0 : i32
        %scan3A_312 = arith.constant 0 : i32
        %scan3A_313 = arith.constant 8 : i32
        %scan3A_314 = arith.addi %scan3A_312, %scan3A_313 : i32
        %scan3A_315 = arith.constant 1 : i32
        %scan3A_316 = scf.for %scan3A_330 = %scan3A_312 to %scan3A_314 step %scan3A_315 iter_args(%scan3A_331 = %scan3A_311) -> (i32)  : i32 {
          %mul3A_332 = arith.constant 16 : i32
          %mul3A_333 = arith.muli %scan3A_330, %mul3A_332 : i32
          %add3A_334 = vector.broadcast %mul3A_333 : i32 to vector<16xi32>
          %add3A_335 = arith.addi %iota3A, %add3A_334 : vector<16xi32>
          %mul3A_336 = arith.constant 16 : i32
          %mul3A_337 = arith.muli %scan3A_330, %mul3A_336 : i32
          %get3A_338 = arith.index_cast %mul3A_337 : i32 to index
          %get3A_339 = tpu.vector_load %arg9[%get3A_338] {strides = array<i32>} : memref<128xi32, #tpu.memory_space<vmem>>, vector<16xi32>,
          %scan3A_340 = arith.constant 0 : i32
          %scan3A_341 = arith.constant 0 : i32
          %scan3A_342 = arith.constant 8 : i32
          %scan3A_343 = arith.addi %scan3A_341, %scan3A_342 : i32
          %scan3A_344 = arith.constant 2 : i32
          %scan3A_345 = scf.for %scan3A_348 = %scan3A_341 to %scan3A_343 step %scan3A_344 iter_args(%scan3A_349 = %scan3A_340) -> (i32)  : i32 {
            %mul3A_350 = arith.constant 8 : i32
            %mul3A_351 = arith.muli %scan3A_348, %mul3A_350 : i32
            %add3A_352 = arith.constant 0 : i32
            %add3A_353 = arith.addi %mul3A_351, %add3A_352 : i32
            %add3A_354 = arith.constant 1 : i32
            %add3A_355 = arith.addi %mul3A_351, %add3A_354 : i32
            %add3A_356 = arith.constant 2 : i32
            %add3A_357 = arith.addi %mul3A_351, %add3A_356 : i32
            %add3A_358 = arith.constant 3 : i32
            %add3A_359 = arith.addi %mul3A_351, %add3A_358 : i32
            %add3A_360 = arith.constant 4 : i32
            %add3A_361 = arith.addi %mul3A_351, %add3A_360 : i32
            %add3A_362 = arith.constant 5 : i32
            %add3A_363 = arith.addi %mul3A_351, %add3A_362 : i32
            %add3A_364 = arith.constant 6 : i32
            %add3A_365 = arith.addi %mul3A_351, %add3A_364 : i32
            %add3A_366 = arith.constant 7 : i32
            %add3A_367 = arith.addi %mul3A_351, %add3A_366 : i32
            %add3A_368 = vector.broadcast %add3A_353 : i32 to vector<16xi32>
            %add3A_369 = arith.addi %get3A_339, %add3A_368 : vector<16xi32>
            %gather3A = tpu.vector_load_idx %arg12[%add3A_335, %add3A_369] : memref<128x129xf32, #tpu.memory_space<vmem>>[vector<16xi32>, vector<16xi32>], vector<16xf32>,
            %add3A_370 = vector.broadcast %add3A_355 : i32 to vector<16xi32>
            %add3A_371 = arith.addi %get3A_339, %add3A_370 : vector<16xi32>
            %gather3A_372 = tpu.vector_load_idx %arg12[%add3A_335, %add3A_371] : memref<128x129xf32, #tpu.memory_space<vmem>>[vector<16xi32>, vector<16xi32>], vector<16xf32>,
            %add3A_373 = vector.broadcast %add3A_357 : i32 to vector<16xi32>
            %add3A_374 = arith.addi %get3A_339, %add3A_373 : vector<16xi32>
            %gather3A_375 = tpu.vector_load_idx %arg12[%add3A_335, %add3A_374] : memref<128x129xf32, #tpu.memory_space<vmem>>[vector<16xi32>, vector<16xi32>], vector<16xf32>,
            %add3A_376 = vector.broadcast %add3A_359 : i32 to vector<16xi32>
            %add3A_377 = arith.addi %get3A_339, %add3A_376 : vector<16xi32>
            %gather3A_378 = tpu.vector_load_idx %arg12[%add3A_335, %add3A_377] : memref<128x129xf32, #tpu.memory_space<vmem>>[vector<16xi32>, vector<16xi32>], vector<16xf32>,
            %add3A_379 = vector.broadcast %add3A_361 : i32 to vector<16xi32>
            %add3A_380 = arith.addi %get3A_339, %add3A_379 : vector<16xi32>
            %gather3A_381 = tpu.vector_load_idx %arg12[%add3A_335, %add3A_380] : memref<128x129xf32, #tpu.memory_space<vmem>>[vector<16xi32>, vector<16xi32>], vector<16xf32>,
            %add3A_382 = vector.broadcast %add3A_363 : i32 to vector<16xi32>
            %add3A_383 = arith.addi %get3A_339, %add3A_382 : vector<16xi32>
            %gather3A_384 = tpu.vector_load_idx %arg12[%add3A_335, %add3A_383] : memref<128x129xf32, #tpu.memory_space<vmem>>[vector<16xi32>, vector<16xi32>], vector<16xf32>,
            %add3A_385 = vector.broadcast %add3A_365 : i32 to vector<16xi32>
            %add3A_386 = arith.addi %get3A_339, %add3A_385 : vector<16xi32>
            %gather3A_387 = tpu.vector_load_idx %arg12[%add3A_335, %add3A_386] : memref<128x129xf32, #tpu.memory_space<vmem>>[vector<16xi32>, vector<16xi32>], vector<16xf32>,
            %add3A_388 = vector.broadcast %add3A_367 : i32 to vector<16xi32>
            %add3A_389 = arith.addi %get3A_339, %add3A_388 : vector<16xi32>
            %gather3A_390 = tpu.vector_load_idx %arg12[%add3A_335, %add3A_389] : memref<128x129xf32, #tpu.memory_space<vmem>>[vector<16xi32>, vector<16xi32>], vector<16xf32>,
            %get3A_391 = arith.index_cast %add3A_353 : i32 to index
            %get3A_392 = arith.constant 0 : index
            %get3A_393 = tpu.vector_load %arg7[%get3A_391, %get3A_392] {strides = array<i32>} : memref<64x16xf32, #tpu.memory_space<vmem>>, vector<16xf32>,
            %get3A_394 = arith.index_cast %add3A_355 : i32 to index
            %get3A_395 = arith.constant 0 : index
            %get3A_396 = tpu.vector_load %arg7[%get3A_394, %get3A_395] {strides = array<i32>} : memref<64x16xf32, #tpu.memory_space<vmem>>, vector<16xf32>,
            %get3A_397 = arith.index_cast %add3A_357 : i32 to index
            %get3A_398 = arith.constant 0 : index
            %get3A_399 = tpu.vector_load %arg7[%get3A_397, %get3A_398] {strides = array<i32>} : memref<64x16xf32, #tpu.memory_space<vmem>>, vector<16xf32>,
            %get3A_400 = arith.index_cast %add3A_359 : i32 to index
            %get3A_401 = arith.constant 0 : index
            %get3A_402 = tpu.vector_load %arg7[%get3A_400, %get3A_401] {strides = array<i32>} : memref<64x16xf32, #tpu.memory_space<vmem>>, vector<16xf32>,
            %get3A_403 = arith.index_cast %add3A_361 : i32 to index
            %get3A_404 = arith.constant 0 : index
            %get3A_405 = tpu.vector_load %arg7[%get3A_403, %get3A_404] {strides = array<i32>} : memref<64x16xf32, #tpu.memory_space<vmem>>, vector<16xf32>,
            %get3A_406 = arith.index_cast %add3A_363 : i32 to index
            %get3A_407 = arith.constant 0 : index
            %get3A_408 = tpu.vector_load %arg7[%get3A_406, %get3A_407] {strides = array<i32>} : memref<64x16xf32, #tpu.memory_space<vmem>>, vector<16xf32>,
            %get3A_409 = arith.index_cast %add3A_365 : i32 to index
            %get3A_410 = arith.constant 0 : index
            %get3A_411 = tpu.vector_load %arg7[%get3A_409, %get3A_410] {strides = array<i32>} : memref<64x16xf32, #tpu.memory_space<vmem>>, vector<16xf32>,
            %get3A_412 = arith.index_cast %add3A_367 : i32 to index
            %get3A_413 = arith.constant 0 : index
            %get3A_414 = tpu.vector_load %arg7[%get3A_412, %get3A_413] {strides = array<i32>} : memref<64x16xf32, #tpu.memory_space<vmem>>, vector<16xf32>,
            %mul3A_415 = arith.constant 8.000000e+00 : f32
            %mul3A_416 = vector.broadcast %mul3A_415 : f32 to vector<16xf32>
            %mul3A_417 = arith.mulf %gather3A, %mul3A_416 : vector<16xf32>
            %add3A_418 = arith.addf %mul3A_417, %get3A_393 : vector<16xf32>
            %mul3A_419 = arith.constant 16 : i32
            %mul3A_420 = arith.muli %scan3A_330, %mul3A_419 : i32
            %swap3A_421 = arith.index_cast %add3A_353 : i32 to index
            %swap3A_422 = arith.index_cast %mul3A_420 : i32 to index
            %swap3A_423 = tpu.vector_load %arg14[%swap3A_421, %swap3A_422] {strides = array<i32>} : memref<64x128xf32, #tpu.memory_space<vmem>>, vector<16xf32>,
            tpu.vector_store %arg14[%swap3A_421, %swap3A_422], %add3A_418 {strides = array<i32>} : memref<64x128xf32, #tpu.memory_space<vmem>>, vector<16xf32>,
            %mul3A_424 = arith.constant 8.000000e+00 : f32
            %mul3A_425 = vector.broadcast %mul3A_424 : f32 to vector<16xf32>
            %mul3A_426 = arith.mulf %gather3A_372, %mul3A_425 : vector<16xf32>
            %add3A_427 = arith.addf %mul3A_426, %get3A_396 : vector<16xf32>
            %mul3A_428 = arith.constant 16 : i32
            %mul3A_429 = arith.muli %scan3A_330, %mul3A_428 : i32
            %swap3A_430 = arith.index_cast %add3A_355 : i32 to index
            %swap3A_431 = arith.index_cast %mul3A_429 : i32 to index
            %swap3A_432 = tpu.vector_load %arg14[%swap3A_430, %swap3A_431] {strides = array<i32>} : memref<64x128xf32, #tpu.memory_space<vmem>>, vector<16xf32>,
            tpu.vector_store %arg14[%swap3A_430, %swap3A_431], %add3A_427 {strides = array<i32>} : memref<64x128xf32, #tpu.memory_space<vmem>>, vector<16xf32>,
            %mul3A_433 = arith.constant 8.000000e+00 : f32
            %mul3A_434 = vector.broadcast %mul3A_433 : f32 to vector<16xf32>
            %mul3A_435 = arith.mulf %gather3A_375, %mul3A_434 : vector<16xf32>
            %add3A_436 = arith.addf %mul3A_435, %get3A_399 : vector<16xf32>
            %mul3A_437 = arith.constant 16 : i32
            %mul3A_438 = arith.muli %scan3A_330, %mul3A_437 : i32
            %swap3A_439 = arith.index_cast %add3A_357 : i32 to index
            %swap3A_440 = arith.index_cast %mul3A_438 : i32 to index
            %swap3A_441 = tpu.vector_load %arg14[%swap3A_439, %swap3A_440] {strides = array<i32>} : memref<64x128xf32, #tpu.memory_space<vmem>>, vector<16xf32>,
            tpu.vector_store %arg14[%swap3A_439, %swap3A_440], %add3A_436 {strides = array<i32>} : memref<64x128xf32, #tpu.memory_space<vmem>>, vector<16xf32>,
            %mul3A_442 = arith.constant 8.000000e+00 : f32
            %mul3A_443 = vector.broadcast %mul3A_442 : f32 to vector<16xf32>
            %mul3A_444 = arith.mulf %gather3A_378, %mul3A_443 : vector<16xf32>
            %add3A_445 = arith.addf %mul3A_444, %get3A_402 : vector<16xf32>
            %mul3A_446 = arith.constant 16 : i32
            %mul3A_447 = arith.muli %scan3A_330, %mul3A_446 : i32
            %swap3A_448 = arith.index_cast %add3A_359 : i32 to index
            %swap3A_449 = arith.index_cast %mul3A_447 : i32 to index
            %swap3A_450 = tpu.vector_load %arg14[%swap3A_448, %swap3A_449] {strides = array<i32>} : memref<64x128xf32, #tpu.memory_space<vmem>>, vector<16xf32>,
            tpu.vector_store %arg14[%swap3A_448, %swap3A_449], %add3A_445 {strides = array<i32>} : memref<64x128xf32, #tpu.memory_space<vmem>>, vector<16xf32>,
            %mul3A_451 = arith.constant 8.000000e+00 : f32
            %mul3A_452 = vector.broadcast %mul3A_451 : f32 to vector<16xf32>
            %mul3A_453 = arith.mulf %gather3A_381, %mul3A_452 : vector<16xf32>
            %add3A_454 = arith.addf %mul3A_453, %get3A_405 : vector<16xf32>
            %mul3A_455 = arith.constant 16 : i32
            %mul3A_456 = arith.muli %scan3A_330, %mul3A_455 : i32
            %swap3A_457 = arith.index_cast %add3A_361 : i32 to index
            %swap3A_458 = arith.index_cast %mul3A_456 : i32 to index
            %swap3A_459 = tpu.vector_load %arg14[%swap3A_457, %swap3A_458] {strides = array<i32>} : memref<64x128xf32, #tpu.memory_space<vmem>>, vector<16xf32>,
            tpu.vector_store %arg14[%swap3A_457, %swap3A_458], %add3A_454 {strides = array<i32>} : memref<64x128xf32, #tpu.memory_space<vmem>>, vector<16xf32>,
            %mul3A_460 = arith.constant 8.000000e+00 : f32
            %mul3A_461 = vector.broadcast %mul3A_460 : f32 to vector<16xf32>
            %mul3A_462 = arith.mulf %gather3A_384, %mul3A_461 : vector<16xf32>
            %add3A_463 = arith.addf %mul3A_462, %get3A_408 : vector<16xf32>
            %mul3A_464 = arith.constant 16 : i32
            %mul3A_465 = arith.muli %scan3A_330, %mul3A_464 : i32
            %swap3A_466 = arith.index_cast %add3A_363 : i32 to index
            %swap3A_467 = arith.index_cast %mul3A_465 : i32 to index
            %swap3A_468 = tpu.vector_load %arg14[%swap3A_466, %swap3A_467] {strides = array<i32>} : memref<64x128xf32, #tpu.memory_space<vmem>>, vector<16xf32>,
            tpu.vector_store %arg14[%swap3A_466, %swap3A_467], %add3A_463 {strides = array<i32>} : memref<64x128xf32, #tpu.memory_space<vmem>>, vector<16xf32>,
            %mul3A_469 = arith.constant 8.000000e+00 : f32
            %mul3A_470 = vector.broadcast %mul3A_469 : f32 to vector<16xf32>
            %mul3A_471 = arith.mulf %gather3A_387, %mul3A_470 : vector<16xf32>
            %add3A_472 = arith.addf %mul3A_471, %get3A_411 : vector<16xf32>
            %mul3A_473 = arith.constant 16 : i32
            %mul3A_474 = arith.muli %scan3A_330, %mul3A_473 : i32
            %swap3A_475 = arith.index_cast %add3A_365 : i32 to index
            %swap3A_476 = arith.index_cast %mul3A_474 : i32 to index
            %swap3A_477 = tpu.vector_load %arg14[%swap3A_475, %swap3A_476] {strides = array<i32>} : memref<64x128xf32, #tpu.memory_space<vmem>>, vector<16xf32>,
            tpu.vector_store %arg14[%swap3A_475, %swap3A_476], %add3A_472 {strides = array<i32>} : memref<64x128xf32, #tpu.memory_space<vmem>>, vector<16xf32>,
            %mul3A_478 = arith.constant 8.000000e+00 : f32
            %mul3A_479 = vector.broadcast %mul3A_478 : f32 to vector<16xf32>
            %mul3A_480 = arith.mulf %gather3A_390, %mul3A_479 : vector<16xf32>
            %add3A_481 = arith.addf %mul3A_480, %get3A_414 : vector<16xf32>
            %mul3A_482 = arith.constant 16 : i32
            %mul3A_483 = arith.muli %scan3A_330, %mul3A_482 : i32
            %swap3A_484 = arith.index_cast %add3A_367 : i32 to index
            %swap3A_485 = arith.index_cast %mul3A_483 : i32 to index
            %swap3A_486 = tpu.vector_load %arg14[%swap3A_484, %swap3A_485] {strides = array<i32>} : memref<64x128xf32, #tpu.memory_space<vmem>>, vector<16xf32>,
            tpu.vector_store %arg14[%swap3A_484, %swap3A_485], %add3A_481 {strides = array<i32>} : memref<64x128xf32, #tpu.memory_space<vmem>>, vector<16xf32>,
            %scan3A_487 = arith.constant 0 : i32
            %scan3A_488 = arith.constant 1 : i32
            %scan3A_489 = arith.addi %scan3A_348, %scan3A_488 : i32
            %mul3A_490 = arith.constant 8 : i32
            %mul3A_491 = arith.muli %scan3A_489, %mul3A_490 : i32
            %add3A_492 = arith.constant 0 : i32
            %add3A_493 = arith.addi %mul3A_491, %add3A_492 : i32
            %add3A_494 = arith.constant 1 : i32
            %add3A_495 = arith.addi %mul3A_491, %add3A_494 : i32
            %add3A_496 = arith.constant 2 : i32
            %add3A_497 = arith.addi %mul3A_491, %add3A_496 : i32
            %add3A_498 = arith.constant 3 : i32
            %add3A_499 = arith.addi %mul3A_491, %add3A_498 : i32
            %add3A_500 = arith.constant 4 : i32
            %add3A_501 = arith.addi %mul3A_491, %add3A_500 : i32
            %add3A_502 = arith.constant 5 : i32
            %add3A_503 = arith.addi %mul3A_491, %add3A_502 : i32
            %add3A_504 = arith.constant 6 : i32
            %add3A_505 = arith.addi %mul3A_491, %add3A_504 : i32
            %add3A_506 = arith.constant 7 : i32
            %add3A_507 = arith.addi %mul3A_491, %add3A_506 : i32
            %add3A_508 = vector.broadcast %add3A_493 : i32 to vector<16xi32>
            %add3A_509 = arith.addi %get3A_339, %add3A_508 : vector<16xi32>
            %gather3A_510 = tpu.vector_load_idx %arg12[%add3A_335, %add3A_509] : memref<128x129xf32, #tpu.memory_space<vmem>>[vector<16xi32>, vector<16xi32>], vector<16xf32>,
            %add3A_511 = vector.broadcast %add3A_495 : i32 to vector<16xi32>
            %add3A_512 = arith.addi %get3A_339, %add3A_511 : vector<16xi32>
            %gather3A_513 = tpu.vector_load_idx %arg12[%add3A_335, %add3A_512] : memref<128x129xf32, #tpu.memory_space<vmem>>[vector<16xi32>, vector<16xi32>], vector<16xf32>,
            %add3A_514 = vector.broadcast %add3A_497 : i32 to vector<16xi32>
            %add3A_515 = arith.addi %get3A_339, %add3A_514 : vector<16xi32>
            %gather3A_516 = tpu.vector_load_idx %arg12[%add3A_335, %add3A_515] : memref<128x129xf32, #tpu.memory_space<vmem>>[vector<16xi32>, vector<16xi32>], vector<16xf32>,
            %add3A_517 = vector.broadcast %add3A_499 : i32 to vector<16xi32>
            %add3A_518 = arith.addi %get3A_339, %add3A_517 : vector<16xi32>
            %gather3A_519 = tpu.vector_load_idx %arg12[%add3A_335, %add3A_518] : memref<128x129xf32, #tpu.memory_space<vmem>>[vector<16xi32>, vector<16xi32>], vector<16xf32>,
            %add3A_520 = vector.broadcast %add3A_501 : i32 to vector<16xi32>
            %add3A_521 = arith.addi %get3A_339, %add3A_520 : vector<16xi32>
            %gather3A_522 = tpu.vector_load_idx %arg12[%add3A_335, %add3A_521] : memref<128x129xf32, #tpu.memory_space<vmem>>[vector<16xi32>, vector<16xi32>], vector<16xf32>,
            %add3A_523 = vector.broadcast %add3A_503 : i32 to vector<16xi32>
            %add3A_524 = arith.addi %get3A_339, %add3A_523 : vector<16xi32>
            %gather3A_525 = tpu.vector_load_idx %arg12[%add3A_335, %add3A_524] : memref<128x129xf32, #tpu.memory_space<vmem>>[vector<16xi32>, vector<16xi32>], vector<16xf32>,
            %add3A_526 = vector.broadcast %add3A_505 : i32 to vector<16xi32>
            %add3A_527 = arith.addi %get3A_339, %add3A_526 : vector<16xi32>
            %gather3A_528 = tpu.vector_load_idx %arg12[%add3A_335, %add3A_527] : memref<128x129xf32, #tpu.memory_space<vmem>>[vector<16xi32>, vector<16xi32>], vector<16xf32>,
            %add3A_529 = vector.broadcast %add3A_507 : i32 to vector<16xi32>
            %add3A_530 = arith.addi %get3A_339, %add3A_529 : vector<16xi32>
            %gather3A_531 = tpu.vector_load_idx %arg12[%add3A_335, %add3A_530] : memref<128x129xf32, #tpu.memory_space<vmem>>[vector<16xi32>, vector<16xi32>], vector<16xf32>,
            %get3A_532 = arith.index_cast %add3A_493 : i32 to index
            %get3A_533 = arith.constant 0 : index
            %get3A_534 = tpu.vector_load %arg7[%get3A_532, %get3A_533] {strides = array<i32>} : memref<64x16xf32, #tpu.memory_space<vmem>>, vector<16xf32>,
            %get3A_535 = arith.index_cast %add3A_495 : i32 to index
            %get3A_536 = arith.constant 0 : index
            %get3A_537 = tpu.vector_load %arg7[%get3A_535, %get3A_536] {strides = array<i32>} : memref<64x16xf32, #tpu.memory_space<vmem>>, vector<16xf32>,
            %get3A_538 = arith.index_cast %add3A_497 : i32 to index
            %get3A_539 = arith.constant 0 : index
            %get3A_540 = tpu.vector_load %arg7[%get3A_538, %get3A_539] {strides = array<i32>} : memref<64x16xf32, #tpu.memory_space<vmem>>, vector<16xf32>,
            %get3A_541 = arith.index_cast %add3A_499 : i32 to index
            %get3A_542 = arith.constant 0 : index
            %get3A_543 = tpu.vector_load %arg7[%get3A_541, %get3A_542] {strides = array<i32>} : memref<64x16xf32, #tpu.memory_space<vmem>>, vector<16xf32>,
            %get3A_544 = arith.index_cast %add3A_501 : i32 to index
            %get3A_545 = arith.constant 0 : index
            %get3A_546 = tpu.vector_load %arg7[%get3A_544, %get3A_545] {strides = array<i32>} : memref<64x16xf32, #tpu.memory_space<vmem>>, vector<16xf32>,
            %get3A_547 = arith.index_cast %add3A_503 : i32 to index
            %get3A_548 = arith.constant 0 : index
            %get3A_549 = tpu.vector_load %arg7[%get3A_547, %get3A_548] {strides = array<i32>} : memref<64x16xf32, #tpu.memory_space<vmem>>, vector<16xf32>,
            %get3A_550 = arith.index_cast %add3A_505 : i32 to index
            %get3A_551 = arith.constant 0 : index
            %get3A_552 = tpu.vector_load %arg7[%get3A_550, %get3A_551] {strides = array<i32>} : memref<64x16xf32, #tpu.memory_space<vmem>>, vector<16xf32>,
            %get3A_553 = arith.index_cast %add3A_507 : i32 to index
            %get3A_554 = arith.constant 0 : index
            %get3A_555 = tpu.vector_load %arg7[%get3A_553, %get3A_554] {strides = array<i32>} : memref<64x16xf32, #tpu.memory_space<vmem>>, vector<16xf32>,
            %mul3A_556 = arith.constant 8.000000e+00 : f32
            %mul3A_557 = vector.broadcast %mul3A_556 : f32 to vector<16xf32>
            %mul3A_558 = arith.mulf %gather3A_510, %mul3A_557 : vector<16xf32>
            %add3A_559 = arith.addf %mul3A_558, %get3A_534 : vector<16xf32>
            %mul3A_560 = arith.constant 16 : i32
            %mul3A_561 = arith.muli %scan3A_330, %mul3A_560 : i32
            %swap3A_562 = arith.index_cast %add3A_493 : i32 to index
            %swap3A_563 = arith.index_cast %mul3A_561 : i32 to index
            %swap3A_564 = tpu.vector_load %arg14[%swap3A_562, %swap3A_563] {strides = array<i32>} : memref<64x128xf32, #tpu.memory_space<vmem>>, vector<16xf32>,
            tpu.vector_store %arg14[%swap3A_562, %swap3A_563], %add3A_559 {strides = array<i32>} : memref<64x128xf32, #tpu.memory_space<vmem>>, vector<16xf32>,
            %mul3A_565 = arith.constant 8.000000e+00 : f32
            %mul3A_566 = vector.broadcast %mul3A_565 : f32 to vector<16xf32>
            %mul3A_567 = arith.mulf %gather3A_513, %mul3A_566 : vector<16xf32>
            %add3A_568 = arith.addf %mul3A_567, %get3A_537 : vector<16xf32>
            %mul3A_569 = arith.constant 16 : i32
            %mul3A_570 = arith.muli %scan3A_330, %mul3A_569 : i32
            %swap3A_571 = arith.index_cast %add3A_495 : i32 to index
            %swap3A_572 = arith.index_cast %mul3A_570 : i32 to index
            %swap3A_573 = tpu.vector_load %arg14[%swap3A_571, %swap3A_572] {strides = array<i32>} : memref<64x128xf32, #tpu.memory_space<vmem>>, vector<16xf32>,
            tpu.vector_store %arg14[%swap3A_571, %swap3A_572], %add3A_568 {strides = array<i32>} : memref<64x128xf32, #tpu.memory_space<vmem>>, vector<16xf32>,
            %mul3A_574 = arith.constant 8.000000e+00 : f32
            %mul3A_575 = vector.broadcast %mul3A_574 : f32 to vector<16xf32>
            %mul3A_576 = arith.mulf %gather3A_516, %mul3A_575 : vector<16xf32>
            %add3A_577 = arith.addf %mul3A_576, %get3A_540 : vector<16xf32>
            %mul3A_578 = arith.constant 16 : i32
            %mul3A_579 = arith.muli %scan3A_330, %mul3A_578 : i32
            %swap3A_580 = arith.index_cast %add3A_497 : i32 to index
            %swap3A_581 = arith.index_cast %mul3A_579 : i32 to index
            %swap3A_582 = tpu.vector_load %arg14[%swap3A_580, %swap3A_581] {strides = array<i32>} : memref<64x128xf32, #tpu.memory_space<vmem>>, vector<16xf32>,
            tpu.vector_store %arg14[%swap3A_580, %swap3A_581], %add3A_577 {strides = array<i32>} : memref<64x128xf32, #tpu.memory_space<vmem>>, vector<16xf32>,
            %mul3A_583 = arith.constant 8.000000e+00 : f32
            %mul3A_584 = vector.broadcast %mul3A_583 : f32 to vector<16xf32>
            %mul3A_585 = arith.mulf %gather3A_519, %mul3A_584 : vector<16xf32>
            %add3A_586 = arith.addf %mul3A_585, %get3A_543 : vector<16xf32>
            %mul3A_587 = arith.constant 16 : i32
            %mul3A_588 = arith.muli %scan3A_330, %mul3A_587 : i32
            %swap3A_589 = arith.index_cast %add3A_499 : i32 to index
            %swap3A_590 = arith.index_cast %mul3A_588 : i32 to index
            %swap3A_591 = tpu.vector_load %arg14[%swap3A_589, %swap3A_590] {strides = array<i32>} : memref<64x128xf32, #tpu.memory_space<vmem>>, vector<16xf32>,
            tpu.vector_store %arg14[%swap3A_589, %swap3A_590], %add3A_586 {strides = array<i32>} : memref<64x128xf32, #tpu.memory_space<vmem>>, vector<16xf32>,
            %mul3A_592 = arith.constant 8.000000e+00 : f32
            %mul3A_593 = vector.broadcast %mul3A_592 : f32 to vector<16xf32>
            %mul3A_594 = arith.mulf %gather3A_522, %mul3A_593 : vector<16xf32>
            %add3A_595 = arith.addf %mul3A_594, %get3A_546 : vector<16xf32>
            %mul3A_596 = arith.constant 16 : i32
            %mul3A_597 = arith.muli %scan3A_330, %mul3A_596 : i32
            %swap3A_598 = arith.index_cast %add3A_501 : i32 to index
            %swap3A_599 = arith.index_cast %mul3A_597 : i32 to index
            %swap3A_600 = tpu.vector_load %arg14[%swap3A_598, %swap3A_599] {strides = array<i32>} : memref<64x128xf32, #tpu.memory_space<vmem>>, vector<16xf32>,
            tpu.vector_store %arg14[%swap3A_598, %swap3A_599], %add3A_595 {strides = array<i32>} : memref<64x128xf32, #tpu.memory_space<vmem>>, vector<16xf32>,
            %mul3A_601 = arith.constant 8.000000e+00 : f32
            %mul3A_602 = vector.broadcast %mul3A_601 : f32 to vector<16xf32>
            %mul3A_603 = arith.mulf %gather3A_525, %mul3A_602 : vector<16xf32>
            %add3A_604 = arith.addf %mul3A_603, %get3A_549 : vector<16xf32>
            %mul3A_605 = arith.constant 16 : i32
            %mul3A_606 = arith.muli %scan3A_330, %mul3A_605 : i32
            %swap3A_607 = arith.index_cast %add3A_503 : i32 to index
            %swap3A_608 = arith.index_cast %mul3A_606 : i32 to index
            %swap3A_609 = tpu.vector_load %arg14[%swap3A_607, %swap3A_608] {strides = array<i32>} : memref<64x128xf32, #tpu.memory_space<vmem>>, vector<16xf32>,
            tpu.vector_store %arg14[%swap3A_607, %swap3A_608], %add3A_604 {strides = array<i32>} : memref<64x128xf32, #tpu.memory_space<vmem>>, vector<16xf32>,
            %mul3A_610 = arith.constant 8.000000e+00 : f32
            %mul3A_611 = vector.broadcast %mul3A_610 : f32 to vector<16xf32>
            %mul3A_612 = arith.mulf %gather3A_528, %mul3A_611 : vector<16xf32>
            %add3A_613 = arith.addf %mul3A_612, %get3A_552 : vector<16xf32>
            %mul3A_614 = arith.constant 16 : i32
            %mul3A_615 = arith.muli %scan3A_330, %mul3A_614 : i32
            %swap3A_616 = arith.index_cast %add3A_505 : i32 to index
            %swap3A_617 = arith.index_cast %mul3A_615 : i32 to index
            %swap3A_618 = tpu.vector_load %arg14[%swap3A_616, %swap3A_617] {strides = array<i32>} : memref<64x128xf32, #tpu.memory_space<vmem>>, vector<16xf32>,
            tpu.vector_store %arg14[%swap3A_616, %swap3A_617], %add3A_613 {strides = array<i32>} : memref<64x128xf32, #tpu.memory_space<vmem>>, vector<16xf32>,
            %mul3A_619 = arith.constant 8.000000e+00 : f32
            %mul3A_620 = vector.broadcast %mul3A_619 : f32 to vector<16xf32>
            %mul3A_621 = arith.mulf %gather3A_531, %mul3A_620 : vector<16xf32>
            %add3A_622 = arith.addf %mul3A_621, %get3A_555 : vector<16xf32>
            %mul3A_623 = arith.constant 16 : i32
            %mul3A_624 = arith.muli %scan3A_330, %mul3A_623 : i32
            %swap3A_625 = arith.index_cast %add3A_507 : i32 to index
            %swap3A_626 = arith.index_cast %mul3A_624 : i32 to index
            %swap3A_627 = tpu.vector_load %arg14[%swap3A_625, %swap3A_626] {strides = array<i32>} : memref<64x128xf32, #tpu.memory_space<vmem>>, vector<16xf32>,
            tpu.vector_store %arg14[%swap3A_625, %swap3A_626], %add3A_622 {strides = array<i32>} : memref<64x128xf32, #tpu.memory_space<vmem>>, vector<16xf32>,
            %scan3A_628 = arith.constant 0 : i32
            scf.yield %scan3A_628 : i32
          }
          %scan3A_346 = arith.constant 8 : i32
          %scan3A_347 = arith.constant 0 : i32
          scf.yield %scan3A_347 : i32
        }
        %scan3A_317 = arith.constant 8 : i32
        %dma_start3A_318 = arith.constant 0 : i32
        %dma_start3A_319 = tpu.memref_slice %arg5[%scan3A_192, %dma_start3A_318, %mul3A_2] : memref<200x64x4096xf32, #tpu.memory_space<hbm>> -> memref<1x64x128xf32, #tpu.memory_space<hbm>>
        %dma_start3A_320 = tpu.memref_squeeze %dma_start3A_319 : memref<1x64x128xf32, #tpu.memory_space<hbm>> -> memref<64x128xf32, #tpu.memory_space<hbm>>
        %dma_start3A_321 = arith.constant 0 : i32
        %dma_start3A_322 = tpu.memref_slice %arg5[%scan3A_192, %dma_start3A_321, %mul3A_2] : memref<200x64x4096xf32, #tpu.memory_space<hbm>> -> memref<1x64x128xf32, #tpu.memory_space<hbm>>
        %dma_start3A_323 = tpu.memref_squeeze %dma_start3A_322 : memref<1x64x128xf32, #tpu.memory_space<hbm>> -> memref<64x128xf32, #tpu.memory_space<hbm>>
        tpu.enqueue_dma source(%arg14 : memref<64x128xf32, #tpu.memory_space<vmem>>) target(%dma_start3A_323 : memref<64x128xf32, #tpu.memory_space<hbm>>) target_semaphore(%arg18 : memref<!tpu.dma_semaphore, #tpu.memory_space<semaphore_mem>>)
        %add3A_324 = arith.constant 2 : i32
        %add3A_325 = arith.addi %scan3A_192, %add3A_324 : i32
        %lt3A = arith.constant 200 : i32
        %lt3A_326 = arith.cmpi slt, %add3A_325, %lt3A : i32
        %convert_element_type3A_327 = arith.extui %lt3A_326 : i1 to i32
        %cond3A_328 = arith.constant 0 : i32
        %cond3A_329 = arith.cmpi ne, %convert_element_type3A_327, %cond3A_328 : i32
        scf.if %cond3A_329 {
          %add3A_330 = arith.constant 2 : i32
          %add3A_331 = arith.addi %scan3A_192, %add3A_330 : i32
          %get3A_332 = arith.index_cast %add3A_331 : i32 to index
          %get3A_333 = arith.constant 0 : index
          %get3A_334 = tpu.vector_load %arg6[%get3A_332, %get3A_333] {strides = array<i32>} : memref<200x128xi32, #tpu.memory_space<vmem>>, vector<16xi32>,
          %shift_right_logical3A_335 = arith.constant 1 : i32
          %shift_right_logical3A_336 = vector.broadcast %shift_right_logical3A_335 : i32 to vector<16xi32>
          %shift_right_logical3A_337 = arith.shrui %get3A_334, %shift_right_logical3A_336 : vector<16xi32>
          %swap3A_338 = arith.constant 0 : index
          %swap3A_339 = tpu.vector_load %arg10[%swap3A_338] {strides = array<i32>} : memref<128xi32, #tpu.memory_space<vmem>>, vector<16xi32>,
          tpu.vector_store %arg10[%swap3A_338], %shift_right_logical3A_337 {strides = array<i32>} : memref<128xi32, #tpu.memory_space<vmem>>, vector<16xi32>,
          %get3A_340 = arith.index_cast %add3A_331 : i32 to index
          %get3A_341 = arith.constant 16 : index
          %get3A_342 = tpu.vector_load %arg6[%get3A_340, %get3A_341] {strides = array<i32>} : memref<200x128xi32, #tpu.memory_space<vmem>>, vector<16xi32>,
          %shift_right_logical3A_343 = arith.constant 1 : i32
          %shift_right_logical3A_344 = vector.broadcast %shift_right_logical3A_343 : i32 to vector<16xi32>
          %shift_right_logical3A_345 = arith.shrui %get3A_342, %shift_right_logical3A_344 : vector<16xi32>
          %swap3A_346 = arith.constant 16 : index
          %swap3A_347 = tpu.vector_load %arg10[%swap3A_346] {strides = array<i32>} : memref<128xi32, #tpu.memory_space<vmem>>, vector<16xi32>,
          tpu.vector_store %arg10[%swap3A_346], %shift_right_logical3A_345 {strides = array<i32>} : memref<128xi32, #tpu.memory_space<vmem>>, vector<16xi32>,
          %get3A_348 = arith.index_cast %add3A_331 : i32 to index
          %get3A_349 = arith.constant 32 : index
          %get3A_350 = tpu.vector_load %arg6[%get3A_348, %get3A_349] {strides = array<i32>} : memref<200x128xi32, #tpu.memory_space<vmem>>, vector<16xi32>,
          %shift_right_logical3A_351 = arith.constant 1 : i32
          %shift_right_logical3A_352 = vector.broadcast %shift_right_logical3A_351 : i32 to vector<16xi32>
          %shift_right_logical3A_353 = arith.shrui %get3A_350, %shift_right_logical3A_352 : vector<16xi32>
          %swap3A_354 = arith.constant 32 : index
          %swap3A_355 = tpu.vector_load %arg10[%swap3A_354] {strides = array<i32>} : memref<128xi32, #tpu.memory_space<vmem>>, vector<16xi32>,
          tpu.vector_store %arg10[%swap3A_354], %shift_right_logical3A_353 {strides = array<i32>} : memref<128xi32, #tpu.memory_space<vmem>>, vector<16xi32>,
          %get3A_356 = arith.index_cast %add3A_331 : i32 to index
          %get3A_357 = arith.constant 48 : index
          %get3A_358 = tpu.vector_load %arg6[%get3A_356, %get3A_357] {strides = array<i32>} : memref<200x128xi32, #tpu.memory_space<vmem>>, vector<16xi32>,
          %shift_right_logical3A_359 = arith.constant 1 : i32
          %shift_right_logical3A_360 = vector.broadcast %shift_right_logical3A_359 : i32 to vector<16xi32>
          %shift_right_logical3A_361 = arith.shrui %get3A_358, %shift_right_logical3A_360 : vector<16xi32>
          %swap3A_362 = arith.constant 48 : index
          %swap3A_363 = tpu.vector_load %arg10[%swap3A_362] {strides = array<i32>} : memref<128xi32, #tpu.memory_space<vmem>>, vector<16xi32>,
          tpu.vector_store %arg10[%swap3A_362], %shift_right_logical3A_361 {strides = array<i32>} : memref<128xi32, #tpu.memory_space<vmem>>, vector<16xi32>,
          %get3A_364 = arith.index_cast %add3A_331 : i32 to index
          %get3A_365 = arith.constant 64 : index
          %get3A_366 = tpu.vector_load %arg6[%get3A_364, %get3A_365] {strides = array<i32>} : memref<200x128xi32, #tpu.memory_space<vmem>>, vector<16xi32>,
          %shift_right_logical3A_367 = arith.constant 1 : i32
          %shift_right_logical3A_368 = vector.broadcast %shift_right_logical3A_367 : i32 to vector<16xi32>
          %shift_right_logical3A_369 = arith.shrui %get3A_366, %shift_right_logical3A_368 : vector<16xi32>
          %swap3A_370 = arith.constant 64 : index
          %swap3A_371 = tpu.vector_load %arg10[%swap3A_370] {strides = array<i32>} : memref<128xi32, #tpu.memory_space<vmem>>, vector<16xi32>,
          tpu.vector_store %arg10[%swap3A_370], %shift_right_logical3A_369 {strides = array<i32>} : memref<128xi32, #tpu.memory_space<vmem>>, vector<16xi32>,
          %get3A_372 = arith.index_cast %add3A_331 : i32 to index
          %get3A_373 = arith.constant 80 : index
          %get3A_374 = tpu.vector_load %arg6[%get3A_372, %get3A_373] {strides = array<i32>} : memref<200x128xi32, #tpu.memory_space<vmem>>, vector<16xi32>,
          %shift_right_logical3A_375 = arith.constant 1 : i32
          %shift_right_logical3A_376 = vector.broadcast %shift_right_logical3A_375 : i32 to vector<16xi32>
          %shift_right_logical3A_377 = arith.shrui %get3A_374, %shift_right_logical3A_376 : vector<16xi32>
          %swap3A_378 = arith.constant 80 : index
          %swap3A_379 = tpu.vector_load %arg10[%swap3A_378] {strides = array<i32>} : memref<128xi32, #tpu.memory_space<vmem>>, vector<16xi32>,
          tpu.vector_store %arg10[%swap3A_378], %shift_right_logical3A_377 {strides = array<i32>} : memref<128xi32, #tpu.memory_space<vmem>>, vector<16xi32>,
          %get3A_380 = arith.index_cast %add3A_331 : i32 to index
          %get3A_381 = arith.constant 96 : index
          %get3A_382 = tpu.vector_load %arg6[%get3A_380, %get3A_381] {strides = array<i32>} : memref<200x128xi32, #tpu.memory_space<vmem>>, vector<16xi32>,
          %shift_right_logical3A_383 = arith.constant 1 : i32
          %shift_right_logical3A_384 = vector.broadcast %shift_right_logical3A_383 : i32 to vector<16xi32>
          %shift_right_logical3A_385 = arith.shrui %get3A_382, %shift_right_logical3A_384 : vector<16xi32>
          %swap3A_386 = arith.constant 96 : index
          %swap3A_387 = tpu.vector_load %arg10[%swap3A_386] {strides = array<i32>} : memref<128xi32, #tpu.memory_space<vmem>>, vector<16xi32>,
          tpu.vector_store %arg10[%swap3A_386], %shift_right_logical3A_385 {strides = array<i32>} : memref<128xi32, #tpu.memory_space<vmem>>, vector<16xi32>,
          %get3A_388 = arith.index_cast %add3A_331 : i32 to index
          %get3A_389 = arith.constant 112 : index
          %get3A_390 = tpu.vector_load %arg6[%get3A_388, %get3A_389] {strides = array<i32>} : memref<200x128xi32, #tpu.memory_space<vmem>>, vector<16xi32>,
          %shift_right_logical3A_391 = arith.constant 1 : i32
          %shift_right_logical3A_392 = vector.broadcast %shift_right_logical3A_391 : i32 to vector<16xi32>
          %shift_right_logical3A_393 = arith.shrui %get3A_390, %shift_right_logical3A_392 : vector<16xi32>
          %swap3A_394 = arith.constant 112 : index
          %swap3A_395 = tpu.vector_load %arg10[%swap3A_394] {strides = array<i32>} : memref<128xi32, #tpu.memory_space<vmem>>, vector<16xi32>,
          tpu.vector_store %arg10[%swap3A_394], %shift_right_logical3A_393 {strides = array<i32>} : memref<128xi32, #tpu.memory_space<vmem>>, vector<16xi32>,
          %dma_start3A_396 = arith.constant 0 : i32
          %dma_start3A_397 = arith.constant 0 : i32
          %dma_start3A_398 = tpu.memref_slice %arg12[%dma_start3A_396, %dma_start3A_397] : memref<128x129xf32, #tpu.memory_space<vmem>> -> memref<128x128xf32, #tpu.memory_space<vmem>>
          %dma_start3A_399 = arith.constant 0 : i32
          %dma_start3A_400 = arith.constant 0 : i32
          %dma_start3A_401 = tpu.memref_slice %arg2[%dma_start3A_399, %dma_start3A_400] : memref<500000x128xf32, #tpu.memory_space<hbm>> -> memref<500000x128xf32, #tpu.memory_space<hbm>>
          tpu.enqueue_indirect_dma source(%dma_start3A_401 : memref<500000x128xf32, #tpu.memory_space<hbm>>) target(%dma_start3A_398 : memref<128x128xf32, #tpu.memory_space<vmem>>) offsets(%arg10 : memref<128xi32, #tpu.memory_space<vmem>>) semaphore(%arg16 : memref<!tpu.dma_semaphore, #tpu.memory_space<semaphore_mem>>)
          %dma_start3A_402 = arith.constant 0 : i32
          %dma_start3A_403 = arith.constant 0 : i32
          %dma_start3A_404 = tpu.memref_slice %arg4[%add3A_331, %dma_start3A_402, %dma_start3A_403] : memref<200x64x16xf32, #tpu.memory_space<hbm>> -> memref<1x64x16xf32, #tpu.memory_space<hbm>>
          %dma_start3A_405 = tpu.memref_squeeze %dma_start3A_404 : memref<1x64x16xf32, #tpu.memory_space<hbm>> -> memref<64x16xf32, #tpu.memory_space<hbm>>
          %dma_start3A_406 = arith.constant 0 : i32
          %dma_start3A_407 = arith.constant 0 : i32
          %dma_start3A_408 = tpu.memref_slice %arg4[%add3A_331, %dma_start3A_406, %dma_start3A_407] : memref<200x64x16xf32, #tpu.memory_space<hbm>> -> memref<1x64x16xf32, #tpu.memory_space<hbm>>
          %dma_start3A_409 = tpu.memref_squeeze %dma_start3A_408 : memref<1x64x16xf32, #tpu.memory_space<hbm>> -> memref<64x16xf32, #tpu.memory_space<hbm>>
          tpu.enqueue_dma source(%dma_start3A_409 : memref<64x16xf32, #tpu.memory_space<hbm>>) target(%arg7 : memref<64x16xf32, #tpu.memory_space<vmem>>) target_semaphore(%arg20 : memref<!tpu.dma_semaphore, #tpu.memory_space<semaphore_mem>>)
        } else {
        }
      } else {
      }
      %rem3A_285 = arith.constant 2 : i32
      %rem3A_286 = arith.remsi %scan3A_192, %rem3A_285 : i32
      %eq3A_287 = arith.constant 1 : i32
      %eq3A_288 = arith.cmpi eq, %rem3A_286, %eq3A_287 : i32
      %convert_element_type3A_289 = arith.extui %eq3A_288 : i1 to i32
      %cond3A_290 = arith.constant 0 : i32
      %cond3A_291 = arith.cmpi ne, %convert_element_type3A_289, %cond3A_290 : i32
      scf.if %cond3A_291 {
        %dma_wait3A_293 = arith.constant 0 : i32
        %dma_wait3A_294 = arith.constant 0 : i32
        %dma_wait3A_295 = tpu.memref_slice %arg13[%dma_wait3A_293, %dma_wait3A_294] : memref<128x129xf32, #tpu.memory_space<vmem>> -> memref<128x128xf32, #tpu.memory_space<vmem>>
        %dma_wait3A_296 = arith.constant 0 : i32
        %dma_wait3A_297 = arith.constant 0 : i32
        %dma_wait3A_298 = tpu.memref_slice %arg2[%dma_wait3A_296, %dma_wait3A_297] : memref<500000x128xf32, #tpu.memory_space<hbm>> -> memref<500000x128xf32, #tpu.memory_space<hbm>>
        tpu.wait_indirect_dma semaphore(%arg17 : memref<!tpu.dma_semaphore, #tpu.memory_space<semaphore_mem>>) src(%dma_wait3A_298 : memref<500000x128xf32, #tpu.memory_space<hbm>>) dst(%dma_wait3A_295 : memref<128x128xf32, #tpu.memory_space<vmem>>)
        %dma_wait3A_299 = arith.constant 0 : i32
        %dma_wait3A_300 = arith.constant 0 : i32
        %dma_wait3A_301 = tpu.memref_slice %arg4[%scan3A_192, %dma_wait3A_299, %dma_wait3A_300] : memref<200x64x16xf32, #tpu.memory_space<hbm>> -> memref<1x64x16xf32, #tpu.memory_space<hbm>>
        %dma_wait3A_302 = tpu.memref_squeeze %dma_wait3A_301 : memref<1x64x16xf32, #tpu.memory_space<hbm>> -> memref<64x16xf32, #tpu.memory_space<hbm>>
        %dma_wait3A_303 = arith.constant 0 : i32
        %dma_wait3A_304 = arith.constant 0 : i32
        %dma_wait3A_305 = tpu.memref_slice %arg4[%scan3A_192, %dma_wait3A_303, %dma_wait3A_304] : memref<200x64x16xf32, #tpu.memory_space<hbm>> -> memref<1x64x16xf32, #tpu.memory_space<hbm>>
        %dma_wait3A_306 = tpu.memref_squeeze %dma_wait3A_305 : memref<1x64x16xf32, #tpu.memory_space<hbm>> -> memref<64x16xf32, #tpu.memory_space<hbm>>
        tpu.wait_dma2 semaphore(%arg21 : memref<!tpu.dma_semaphore, #tpu.memory_space<semaphore_mem>>) src(%dma_wait3A_306 : memref<64x16xf32, #tpu.memory_space<hbm>>) dst(%arg8 : memref<64x16xf32, #tpu.memory_space<vmem>>)
        %ge3A = arith.constant 2 : i32
        %ge3A_307 = arith.cmpi sge, %scan3A_192, %ge3A : i32
        %convert_element_type3A_308 = arith.extui %ge3A_307 : i1 to i32
        %cond3A_309 = arith.constant 0 : i32
        %cond3A_310 = arith.cmpi ne, %convert_element_type3A_308, %cond3A_309 : i32
        scf.if %cond3A_310 {
          %sub3A = arith.constant 2 : i32
          %sub3A_330 = arith.subi %scan3A_192, %sub3A : i32
          %dma_wait3A_331 = arith.constant 0 : i32
          %dma_wait3A_332 = tpu.memref_slice %arg5[%sub3A_330, %dma_wait3A_331, %mul3A_2] : memref<200x64x4096xf32, #tpu.memory_space<hbm>> -> memref<1x64x128xf32, #tpu.memory_space<hbm>>
          %dma_wait3A_333 = tpu.memref_squeeze %dma_wait3A_332 : memref<1x64x128xf32, #tpu.memory_space<hbm>> -> memref<64x128xf32, #tpu.memory_space<hbm>>
          %dma_wait3A_334 = arith.constant 0 : i32
          %dma_wait3A_335 = tpu.memref_slice %arg5[%sub3A_330, %dma_wait3A_334, %mul3A_2] : memref<200x64x4096xf32, #tpu.memory_space<hbm>> -> memref<1x64x128xf32, #tpu.memory_space<hbm>>
          %dma_wait3A_336 = tpu.memref_squeeze %dma_wait3A_335 : memref<1x64x128xf32, #tpu.memory_space<hbm>> -> memref<64x128xf32, #tpu.memory_space<hbm>>
          tpu.wait_dma2 semaphore(%arg19 : memref<!tpu.dma_semaphore, #tpu.memory_space<semaphore_mem>>) src(%arg15 : memref<64x128xf32, #tpu.memory_space<vmem>>) dst(%dma_wait3A_336 : memref<64x128xf32, #tpu.memory_space<hbm>>)
        } else {
        }
        %scan3A_311 = arith.constant 0 : i32
        %scan3A_312 = arith.constant 0 : i32
        %scan3A_313 = arith.constant 8 : i32
        %scan3A_314 = arith.addi %scan3A_312, %scan3A_313 : i32
        %scan3A_315 = arith.constant 1 : i32
        %scan3A_316 = scf.for %scan3A_330 = %scan3A_312 to %scan3A_314 step %scan3A_315 iter_args(%scan3A_331 = %scan3A_311) -> (i32)  : i32 {
          %mul3A_332 = arith.constant 16 : i32
          %mul3A_333 = arith.muli %scan3A_330, %mul3A_332 : i32
          %add3A_334 = vector.broadcast %mul3A_333 : i32 to vector<16xi32>
          %add3A_335 = arith.addi %iota3A, %add3A_334 : vector<16xi32>
          %mul3A_336 = arith.constant 16 : i32
          %mul3A_337 = arith.muli %scan3A_330, %mul3A_336 : i32
          %get3A_338 = arith.index_cast %mul3A_337 : i32 to index
          %get3A_339 = tpu.vector_load %arg9[%get3A_338] {strides = array<i32>} : memref<128xi32, #tpu.memory_space<vmem>>, vector<16xi32>,
          %scan3A_340 = arith.constant 0 : i32
          %scan3A_341 = arith.constant 0 : i32
          %scan3A_342 = arith.constant 8 : i32
          %scan3A_343 = arith.addi %scan3A_341, %scan3A_342 : i32
          %scan3A_344 = arith.constant 2 : i32
          %scan3A_345 = scf.for %scan3A_348 = %scan3A_341 to %scan3A_343 step %scan3A_344 iter_args(%scan3A_349 = %scan3A_340) -> (i32)  : i32 {
            %mul3A_350 = arith.constant 8 : i32
            %mul3A_351 = arith.muli %scan3A_348, %mul3A_350 : i32
            %add3A_352 = arith.constant 0 : i32
            %add3A_353 = arith.addi %mul3A_351, %add3A_352 : i32
            %add3A_354 = arith.constant 1 : i32
            %add3A_355 = arith.addi %mul3A_351, %add3A_354 : i32
            %add3A_356 = arith.constant 2 : i32
            %add3A_357 = arith.addi %mul3A_351, %add3A_356 : i32
            %add3A_358 = arith.constant 3 : i32
            %add3A_359 = arith.addi %mul3A_351, %add3A_358 : i32
            %add3A_360 = arith.constant 4 : i32
            %add3A_361 = arith.addi %mul3A_351, %add3A_360 : i32
            %add3A_362 = arith.constant 5 : i32
            %add3A_363 = arith.addi %mul3A_351, %add3A_362 : i32
            %add3A_364 = arith.constant 6 : i32
            %add3A_365 = arith.addi %mul3A_351, %add3A_364 : i32
            %add3A_366 = arith.constant 7 : i32
            %add3A_367 = arith.addi %mul3A_351, %add3A_366 : i32
            %add3A_368 = vector.broadcast %add3A_353 : i32 to vector<16xi32>
            %add3A_369 = arith.addi %get3A_339, %add3A_368 : vector<16xi32>
            %gather3A = tpu.vector_load_idx %arg13[%add3A_335, %add3A_369] : memref<128x129xf32, #tpu.memory_space<vmem>>[vector<16xi32>, vector<16xi32>], vector<16xf32>,
            %add3A_370 = vector.broadcast %add3A_355 : i32 to vector<16xi32>
            %add3A_371 = arith.addi %get3A_339, %add3A_370 : vector<16xi32>
            %gather3A_372 = tpu.vector_load_idx %arg13[%add3A_335, %add3A_371] : memref<128x129xf32, #tpu.memory_space<vmem>>[vector<16xi32>, vector<16xi32>], vector<16xf32>,
            %add3A_373 = vector.broadcast %add3A_357 : i32 to vector<16xi32>
            %add3A_374 = arith.addi %get3A_339, %add3A_373 : vector<16xi32>
            %gather3A_375 = tpu.vector_load_idx %arg13[%add3A_335, %add3A_374] : memref<128x129xf32, #tpu.memory_space<vmem>>[vector<16xi32>, vector<16xi32>], vector<16xf32>,
            %add3A_376 = vector.broadcast %add3A_359 : i32 to vector<16xi32>
            %add3A_377 = arith.addi %get3A_339, %add3A_376 : vector<16xi32>
            %gather3A_378 = tpu.vector_load_idx %arg13[%add3A_335, %add3A_377] : memref<128x129xf32, #tpu.memory_space<vmem>>[vector<16xi32>, vector<16xi32>], vector<16xf32>,
            %add3A_379 = vector.broadcast %add3A_361 : i32 to vector<16xi32>
            %add3A_380 = arith.addi %get3A_339, %add3A_379 : vector<16xi32>
            %gather3A_381 = tpu.vector_load_idx %arg13[%add3A_335, %add3A_380] : memref<128x129xf32, #tpu.memory_space<vmem>>[vector<16xi32>, vector<16xi32>], vector<16xf32>,
            %add3A_382 = vector.broadcast %add3A_363 : i32 to vector<16xi32>
            %add3A_383 = arith.addi %get3A_339, %add3A_382 : vector<16xi32>
            %gather3A_384 = tpu.vector_load_idx %arg13[%add3A_335, %add3A_383] : memref<128x129xf32, #tpu.memory_space<vmem>>[vector<16xi32>, vector<16xi32>], vector<16xf32>,
            %add3A_385 = vector.broadcast %add3A_365 : i32 to vector<16xi32>
            %add3A_386 = arith.addi %get3A_339, %add3A_385 : vector<16xi32>
            %gather3A_387 = tpu.vector_load_idx %arg13[%add3A_335, %add3A_386] : memref<128x129xf32, #tpu.memory_space<vmem>>[vector<16xi32>, vector<16xi32>], vector<16xf32>,
            %add3A_388 = vector.broadcast %add3A_367 : i32 to vector<16xi32>
            %add3A_389 = arith.addi %get3A_339, %add3A_388 : vector<16xi32>
            %gather3A_390 = tpu.vector_load_idx %arg13[%add3A_335, %add3A_389] : memref<128x129xf32, #tpu.memory_space<vmem>>[vector<16xi32>, vector<16xi32>], vector<16xf32>,
            %get3A_391 = arith.index_cast %add3A_353 : i32 to index
            %get3A_392 = arith.constant 0 : index
            %get3A_393 = tpu.vector_load %arg8[%get3A_391, %get3A_392] {strides = array<i32>} : memref<64x16xf32, #tpu.memory_space<vmem>>, vector<16xf32>,
            %get3A_394 = arith.index_cast %add3A_355 : i32 to index
            %get3A_395 = arith.constant 0 : index
            %get3A_396 = tpu.vector_load %arg8[%get3A_394, %get3A_395] {strides = array<i32>} : memref<64x16xf32, #tpu.memory_space<vmem>>, vector<16xf32>,
            %get3A_397 = arith.index_cast %add3A_357 : i32 to index
            %get3A_398 = arith.constant 0 : index
            %get3A_399 = tpu.vector_load %arg8[%get3A_397, %get3A_398] {strides = array<i32>} : memref<64x16xf32, #tpu.memory_space<vmem>>, vector<16xf32>,
            %get3A_400 = arith.index_cast %add3A_359 : i32 to index
            %get3A_401 = arith.constant 0 : index
            %get3A_402 = tpu.vector_load %arg8[%get3A_400, %get3A_401] {strides = array<i32>} : memref<64x16xf32, #tpu.memory_space<vmem>>, vector<16xf32>,
            %get3A_403 = arith.index_cast %add3A_361 : i32 to index
            %get3A_404 = arith.constant 0 : index
            %get3A_405 = tpu.vector_load %arg8[%get3A_403, %get3A_404] {strides = array<i32>} : memref<64x16xf32, #tpu.memory_space<vmem>>, vector<16xf32>,
            %get3A_406 = arith.index_cast %add3A_363 : i32 to index
            %get3A_407 = arith.constant 0 : index
            %get3A_408 = tpu.vector_load %arg8[%get3A_406, %get3A_407] {strides = array<i32>} : memref<64x16xf32, #tpu.memory_space<vmem>>, vector<16xf32>,
            %get3A_409 = arith.index_cast %add3A_365 : i32 to index
            %get3A_410 = arith.constant 0 : index
            %get3A_411 = tpu.vector_load %arg8[%get3A_409, %get3A_410] {strides = array<i32>} : memref<64x16xf32, #tpu.memory_space<vmem>>, vector<16xf32>,
            %get3A_412 = arith.index_cast %add3A_367 : i32 to index
            %get3A_413 = arith.constant 0 : index
            %get3A_414 = tpu.vector_load %arg8[%get3A_412, %get3A_413] {strides = array<i32>} : memref<64x16xf32, #tpu.memory_space<vmem>>, vector<16xf32>,
            %mul3A_415 = arith.constant 8.000000e+00 : f32
            %mul3A_416 = vector.broadcast %mul3A_415 : f32 to vector<16xf32>
            %mul3A_417 = arith.mulf %gather3A, %mul3A_416 : vector<16xf32>
            %add3A_418 = arith.addf %mul3A_417, %get3A_393 : vector<16xf32>
            %mul3A_419 = arith.constant 16 : i32
            %mul3A_420 = arith.muli %scan3A_330, %mul3A_419 : i32
            %swap3A_421 = arith.index_cast %add3A_353 : i32 to index
            %swap3A_422 = arith.index_cast %mul3A_420 : i32 to index
            %swap3A_423 = tpu.vector_load %arg15[%swap3A_421, %swap3A_422] {strides = array<i32>} : memref<64x128xf32, #tpu.memory_space<vmem>>, vector<16xf32>,
            tpu.vector_store %arg15[%swap3A_421, %swap3A_422], %add3A_418 {strides = array<i32>} : memref<64x128xf32, #tpu.memory_space<vmem>>, vector<16xf32>,
            %mul3A_424 = arith.constant 8.000000e+00 : f32
            %mul3A_425 = vector.broadcast %mul3A_424 : f32 to vector<16xf32>
            %mul3A_426 = arith.mulf %gather3A_372, %mul3A_425 : vector<16xf32>
            %add3A_427 = arith.addf %mul3A_426, %get3A_396 : vector<16xf32>
            %mul3A_428 = arith.constant 16 : i32
            %mul3A_429 = arith.muli %scan3A_330, %mul3A_428 : i32
            %swap3A_430 = arith.index_cast %add3A_355 : i32 to index
            %swap3A_431 = arith.index_cast %mul3A_429 : i32 to index
            %swap3A_432 = tpu.vector_load %arg15[%swap3A_430, %swap3A_431] {strides = array<i32>} : memref<64x128xf32, #tpu.memory_space<vmem>>, vector<16xf32>,
            tpu.vector_store %arg15[%swap3A_430, %swap3A_431], %add3A_427 {strides = array<i32>} : memref<64x128xf32, #tpu.memory_space<vmem>>, vector<16xf32>,
            %mul3A_433 = arith.constant 8.000000e+00 : f32
            %mul3A_434 = vector.broadcast %mul3A_433 : f32 to vector<16xf32>
            %mul3A_435 = arith.mulf %gather3A_375, %mul3A_434 : vector<16xf32>
            %add3A_436 = arith.addf %mul3A_435, %get3A_399 : vector<16xf32>
            %mul3A_437 = arith.constant 16 : i32
            %mul3A_438 = arith.muli %scan3A_330, %mul3A_437 : i32
            %swap3A_439 = arith.index_cast %add3A_357 : i32 to index
            %swap3A_440 = arith.index_cast %mul3A_438 : i32 to index
            %swap3A_441 = tpu.vector_load %arg15[%swap3A_439, %swap3A_440] {strides = array<i32>} : memref<64x128xf32, #tpu.memory_space<vmem>>, vector<16xf32>,
            tpu.vector_store %arg15[%swap3A_439, %swap3A_440], %add3A_436 {strides = array<i32>} : memref<64x128xf32, #tpu.memory_space<vmem>>, vector<16xf32>,
            %mul3A_442 = arith.constant 8.000000e+00 : f32
            %mul3A_443 = vector.broadcast %mul3A_442 : f32 to vector<16xf32>
            %mul3A_444 = arith.mulf %gather3A_378, %mul3A_443 : vector<16xf32>
            %add3A_445 = arith.addf %mul3A_444, %get3A_402 : vector<16xf32>
            %mul3A_446 = arith.constant 16 : i32
            %mul3A_447 = arith.muli %scan3A_330, %mul3A_446 : i32
            %swap3A_448 = arith.index_cast %add3A_359 : i32 to index
            %swap3A_449 = arith.index_cast %mul3A_447 : i32 to index
            %swap3A_450 = tpu.vector_load %arg15[%swap3A_448, %swap3A_449] {strides = array<i32>} : memref<64x128xf32, #tpu.memory_space<vmem>>, vector<16xf32>,
            tpu.vector_store %arg15[%swap3A_448, %swap3A_449], %add3A_445 {strides = array<i32>} : memref<64x128xf32, #tpu.memory_space<vmem>>, vector<16xf32>,
            %mul3A_451 = arith.constant 8.000000e+00 : f32
            %mul3A_452 = vector.broadcast %mul3A_451 : f32 to vector<16xf32>
            %mul3A_453 = arith.mulf %gather3A_381, %mul3A_452 : vector<16xf32>
            %add3A_454 = arith.addf %mul3A_453, %get3A_405 : vector<16xf32>
            %mul3A_455 = arith.constant 16 : i32
            %mul3A_456 = arith.muli %scan3A_330, %mul3A_455 : i32
            %swap3A_457 = arith.index_cast %add3A_361 : i32 to index
            %swap3A_458 = arith.index_cast %mul3A_456 : i32 to index
            %swap3A_459 = tpu.vector_load %arg15[%swap3A_457, %swap3A_458] {strides = array<i32>} : memref<64x128xf32, #tpu.memory_space<vmem>>, vector<16xf32>,
            tpu.vector_store %arg15[%swap3A_457, %swap3A_458], %add3A_454 {strides = array<i32>} : memref<64x128xf32, #tpu.memory_space<vmem>>, vector<16xf32>,
            %mul3A_460 = arith.constant 8.000000e+00 : f32
            %mul3A_461 = vector.broadcast %mul3A_460 : f32 to vector<16xf32>
            %mul3A_462 = arith.mulf %gather3A_384, %mul3A_461 : vector<16xf32>
            %add3A_463 = arith.addf %mul3A_462, %get3A_408 : vector<16xf32>
            %mul3A_464 = arith.constant 16 : i32
            %mul3A_465 = arith.muli %scan3A_330, %mul3A_464 : i32
            %swap3A_466 = arith.index_cast %add3A_363 : i32 to index
            %swap3A_467 = arith.index_cast %mul3A_465 : i32 to index
            %swap3A_468 = tpu.vector_load %arg15[%swap3A_466, %swap3A_467] {strides = array<i32>} : memref<64x128xf32, #tpu.memory_space<vmem>>, vector<16xf32>,
            tpu.vector_store %arg15[%swap3A_466, %swap3A_467], %add3A_463 {strides = array<i32>} : memref<64x128xf32, #tpu.memory_space<vmem>>, vector<16xf32>,
            %mul3A_469 = arith.constant 8.000000e+00 : f32
            %mul3A_470 = vector.broadcast %mul3A_469 : f32 to vector<16xf32>
            %mul3A_471 = arith.mulf %gather3A_387, %mul3A_470 : vector<16xf32>
            %add3A_472 = arith.addf %mul3A_471, %get3A_411 : vector<16xf32>
            %mul3A_473 = arith.constant 16 : i32
            %mul3A_474 = arith.muli %scan3A_330, %mul3A_473 : i32
            %swap3A_475 = arith.index_cast %add3A_365 : i32 to index
            %swap3A_476 = arith.index_cast %mul3A_474 : i32 to index
            %swap3A_477 = tpu.vector_load %arg15[%swap3A_475, %swap3A_476] {strides = array<i32>} : memref<64x128xf32, #tpu.memory_space<vmem>>, vector<16xf32>,
            tpu.vector_store %arg15[%swap3A_475, %swap3A_476], %add3A_472 {strides = array<i32>} : memref<64x128xf32, #tpu.memory_space<vmem>>, vector<16xf32>,
            %mul3A_478 = arith.constant 8.000000e+00 : f32
            %mul3A_479 = vector.broadcast %mul3A_478 : f32 to vector<16xf32>
            %mul3A_480 = arith.mulf %gather3A_390, %mul3A_479 : vector<16xf32>
            %add3A_481 = arith.addf %mul3A_480, %get3A_414 : vector<16xf32>
            %mul3A_482 = arith.constant 16 : i32
            %mul3A_483 = arith.muli %scan3A_330, %mul3A_482 : i32
            %swap3A_484 = arith.index_cast %add3A_367 : i32 to index
            %swap3A_485 = arith.index_cast %mul3A_483 : i32 to index
            %swap3A_486 = tpu.vector_load %arg15[%swap3A_484, %swap3A_485] {strides = array<i32>} : memref<64x128xf32, #tpu.memory_space<vmem>>, vector<16xf32>,
            tpu.vector_store %arg15[%swap3A_484, %swap3A_485], %add3A_481 {strides = array<i32>} : memref<64x128xf32, #tpu.memory_space<vmem>>, vector<16xf32>,
            %scan3A_487 = arith.constant 0 : i32
            %scan3A_488 = arith.constant 1 : i32
            %scan3A_489 = arith.addi %scan3A_348, %scan3A_488 : i32
            %mul3A_490 = arith.constant 8 : i32
            %mul3A_491 = arith.muli %scan3A_489, %mul3A_490 : i32
            %add3A_492 = arith.constant 0 : i32
            %add3A_493 = arith.addi %mul3A_491, %add3A_492 : i32
            %add3A_494 = arith.constant 1 : i32
            %add3A_495 = arith.addi %mul3A_491, %add3A_494 : i32
            %add3A_496 = arith.constant 2 : i32
            %add3A_497 = arith.addi %mul3A_491, %add3A_496 : i32
            %add3A_498 = arith.constant 3 : i32
            %add3A_499 = arith.addi %mul3A_491, %add3A_498 : i32
            %add3A_500 = arith.constant 4 : i32
            %add3A_501 = arith.addi %mul3A_491, %add3A_500 : i32
            %add3A_502 = arith.constant 5 : i32
            %add3A_503 = arith.addi %mul3A_491, %add3A_502 : i32
            %add3A_504 = arith.constant 6 : i32
            %add3A_505 = arith.addi %mul3A_491, %add3A_504 : i32
            %add3A_506 = arith.constant 7 : i32
            %add3A_507 = arith.addi %mul3A_491, %add3A_506 : i32
            %add3A_508 = vector.broadcast %add3A_493 : i32 to vector<16xi32>
            %add3A_509 = arith.addi %get3A_339, %add3A_508 : vector<16xi32>
            %gather3A_510 = tpu.vector_load_idx %arg13[%add3A_335, %add3A_509] : memref<128x129xf32, #tpu.memory_space<vmem>>[vector<16xi32>, vector<16xi32>], vector<16xf32>,
            %add3A_511 = vector.broadcast %add3A_495 : i32 to vector<16xi32>
            %add3A_512 = arith.addi %get3A_339, %add3A_511 : vector<16xi32>
            %gather3A_513 = tpu.vector_load_idx %arg13[%add3A_335, %add3A_512] : memref<128x129xf32, #tpu.memory_space<vmem>>[vector<16xi32>, vector<16xi32>], vector<16xf32>,
            %add3A_514 = vector.broadcast %add3A_497 : i32 to vector<16xi32>
            %add3A_515 = arith.addi %get3A_339, %add3A_514 : vector<16xi32>
            %gather3A_516 = tpu.vector_load_idx %arg13[%add3A_335, %add3A_515] : memref<128x129xf32, #tpu.memory_space<vmem>>[vector<16xi32>, vector<16xi32>], vector<16xf32>,
            %add3A_517 = vector.broadcast %add3A_499 : i32 to vector<16xi32>
            %add3A_518 = arith.addi %get3A_339, %add3A_517 : vector<16xi32>
            %gather3A_519 = tpu.vector_load_idx %arg13[%add3A_335, %add3A_518] : memref<128x129xf32, #tpu.memory_space<vmem>>[vector<16xi32>, vector<16xi32>], vector<16xf32>,
            %add3A_520 = vector.broadcast %add3A_501 : i32 to vector<16xi32>
            %add3A_521 = arith.addi %get3A_339, %add3A_520 : vector<16xi32>
            %gather3A_522 = tpu.vector_load_idx %arg13[%add3A_335, %add3A_521] : memref<128x129xf32, #tpu.memory_space<vmem>>[vector<16xi32>, vector<16xi32>], vector<16xf32>,
            %add3A_523 = vector.broadcast %add3A_503 : i32 to vector<16xi32>
            %add3A_524 = arith.addi %get3A_339, %add3A_523 : vector<16xi32>
            %gather3A_525 = tpu.vector_load_idx %arg13[%add3A_335, %add3A_524] : memref<128x129xf32, #tpu.memory_space<vmem>>[vector<16xi32>, vector<16xi32>], vector<16xf32>,
            %add3A_526 = vector.broadcast %add3A_505 : i32 to vector<16xi32>
            %add3A_527 = arith.addi %get3A_339, %add3A_526 : vector<16xi32>
            %gather3A_528 = tpu.vector_load_idx %arg13[%add3A_335, %add3A_527] : memref<128x129xf32, #tpu.memory_space<vmem>>[vector<16xi32>, vector<16xi32>], vector<16xf32>,
            %add3A_529 = vector.broadcast %add3A_507 : i32 to vector<16xi32>
            %add3A_530 = arith.addi %get3A_339, %add3A_529 : vector<16xi32>
            %gather3A_531 = tpu.vector_load_idx %arg13[%add3A_335, %add3A_530] : memref<128x129xf32, #tpu.memory_space<vmem>>[vector<16xi32>, vector<16xi32>], vector<16xf32>,
            %get3A_532 = arith.index_cast %add3A_493 : i32 to index
            %get3A_533 = arith.constant 0 : index
            %get3A_534 = tpu.vector_load %arg8[%get3A_532, %get3A_533] {strides = array<i32>} : memref<64x16xf32, #tpu.memory_space<vmem>>, vector<16xf32>,
            %get3A_535 = arith.index_cast %add3A_495 : i32 to index
            %get3A_536 = arith.constant 0 : index
            %get3A_537 = tpu.vector_load %arg8[%get3A_535, %get3A_536] {strides = array<i32>} : memref<64x16xf32, #tpu.memory_space<vmem>>, vector<16xf32>,
            %get3A_538 = arith.index_cast %add3A_497 : i32 to index
            %get3A_539 = arith.constant 0 : index
            %get3A_540 = tpu.vector_load %arg8[%get3A_538, %get3A_539] {strides = array<i32>} : memref<64x16xf32, #tpu.memory_space<vmem>>, vector<16xf32>,
            %get3A_541 = arith.index_cast %add3A_499 : i32 to index
            %get3A_542 = arith.constant 0 : index
            %get3A_543 = tpu.vector_load %arg8[%get3A_541, %get3A_542] {strides = array<i32>} : memref<64x16xf32, #tpu.memory_space<vmem>>, vector<16xf32>,
            %get3A_544 = arith.index_cast %add3A_501 : i32 to index
            %get3A_545 = arith.constant 0 : index
            %get3A_546 = tpu.vector_load %arg8[%get3A_544, %get3A_545] {strides = array<i32>} : memref<64x16xf32, #tpu.memory_space<vmem>>, vector<16xf32>,
            %get3A_547 = arith.index_cast %add3A_503 : i32 to index
            %get3A_548 = arith.constant 0 : index
            %get3A_549 = tpu.vector_load %arg8[%get3A_547, %get3A_548] {strides = array<i32>} : memref<64x16xf32, #tpu.memory_space<vmem>>, vector<16xf32>,
            %get3A_550 = arith.index_cast %add3A_505 : i32 to index
            %get3A_551 = arith.constant 0 : index
            %get3A_552 = tpu.vector_load %arg8[%get3A_550, %get3A_551] {strides = array<i32>} : memref<64x16xf32, #tpu.memory_space<vmem>>, vector<16xf32>,
            %get3A_553 = arith.index_cast %add3A_507 : i32 to index
            %get3A_554 = arith.constant 0 : index
            %get3A_555 = tpu.vector_load %arg8[%get3A_553, %get3A_554] {strides = array<i32>} : memref<64x16xf32, #tpu.memory_space<vmem>>, vector<16xf32>,
            %mul3A_556 = arith.constant 8.000000e+00 : f32
            %mul3A_557 = vector.broadcast %mul3A_556 : f32 to vector<16xf32>
            %mul3A_558 = arith.mulf %gather3A_510, %mul3A_557 : vector<16xf32>
            %add3A_559 = arith.addf %mul3A_558, %get3A_534 : vector<16xf32>
            %mul3A_560 = arith.constant 16 : i32
            %mul3A_561 = arith.muli %scan3A_330, %mul3A_560 : i32
            %swap3A_562 = arith.index_cast %add3A_493 : i32 to index
            %swap3A_563 = arith.index_cast %mul3A_561 : i32 to index
            %swap3A_564 = tpu.vector_load %arg15[%swap3A_562, %swap3A_563] {strides = array<i32>} : memref<64x128xf32, #tpu.memory_space<vmem>>, vector<16xf32>,
            tpu.vector_store %arg15[%swap3A_562, %swap3A_563], %add3A_559 {strides = array<i32>} : memref<64x128xf32, #tpu.memory_space<vmem>>, vector<16xf32>,
            %mul3A_565 = arith.constant 8.000000e+00 : f32
            %mul3A_566 = vector.broadcast %mul3A_565 : f32 to vector<16xf32>
            %mul3A_567 = arith.mulf %gather3A_513, %mul3A_566 : vector<16xf32>
            %add3A_568 = arith.addf %mul3A_567, %get3A_537 : vector<16xf32>
            %mul3A_569 = arith.constant 16 : i32
            %mul3A_570 = arith.muli %scan3A_330, %mul3A_569 : i32
            %swap3A_571 = arith.index_cast %add3A_495 : i32 to index
            %swap3A_572 = arith.index_cast %mul3A_570 : i32 to index
            %swap3A_573 = tpu.vector_load %arg15[%swap3A_571, %swap3A_572] {strides = array<i32>} : memref<64x128xf32, #tpu.memory_space<vmem>>, vector<16xf32>,
            tpu.vector_store %arg15[%swap3A_571, %swap3A_572], %add3A_568 {strides = array<i32>} : memref<64x128xf32, #tpu.memory_space<vmem>>, vector<16xf32>,
            %mul3A_574 = arith.constant 8.000000e+00 : f32
            %mul3A_575 = vector.broadcast %mul3A_574 : f32 to vector<16xf32>
            %mul3A_576 = arith.mulf %gather3A_516, %mul3A_575 : vector<16xf32>
            %add3A_577 = arith.addf %mul3A_576, %get3A_540 : vector<16xf32>
            %mul3A_578 = arith.constant 16 : i32
            %mul3A_579 = arith.muli %scan3A_330, %mul3A_578 : i32
            %swap3A_580 = arith.index_cast %add3A_497 : i32 to index
            %swap3A_581 = arith.index_cast %mul3A_579 : i32 to index
            %swap3A_582 = tpu.vector_load %arg15[%swap3A_580, %swap3A_581] {strides = array<i32>} : memref<64x128xf32, #tpu.memory_space<vmem>>, vector<16xf32>,
            tpu.vector_store %arg15[%swap3A_580, %swap3A_581], %add3A_577 {strides = array<i32>} : memref<64x128xf32, #tpu.memory_space<vmem>>, vector<16xf32>,
            %mul3A_583 = arith.constant 8.000000e+00 : f32
            %mul3A_584 = vector.broadcast %mul3A_583 : f32 to vector<16xf32>
            %mul3A_585 = arith.mulf %gather3A_519, %mul3A_584 : vector<16xf32>
            %add3A_586 = arith.addf %mul3A_585, %get3A_543 : vector<16xf32>
            %mul3A_587 = arith.constant 16 : i32
            %mul3A_588 = arith.muli %scan3A_330, %mul3A_587 : i32
            %swap3A_589 = arith.index_cast %add3A_499 : i32 to index
            %swap3A_590 = arith.index_cast %mul3A_588 : i32 to index
            %swap3A_591 = tpu.vector_load %arg15[%swap3A_589, %swap3A_590] {strides = array<i32>} : memref<64x128xf32, #tpu.memory_space<vmem>>, vector<16xf32>,
            tpu.vector_store %arg15[%swap3A_589, %swap3A_590], %add3A_586 {strides = array<i32>} : memref<64x128xf32, #tpu.memory_space<vmem>>, vector<16xf32>,
            %mul3A_592 = arith.constant 8.000000e+00 : f32
            %mul3A_593 = vector.broadcast %mul3A_592 : f32 to vector<16xf32>
            %mul3A_594 = arith.mulf %gather3A_522, %mul3A_593 : vector<16xf32>
            %add3A_595 = arith.addf %mul3A_594, %get3A_546 : vector<16xf32>
            %mul3A_596 = arith.constant 16 : i32
            %mul3A_597 = arith.muli %scan3A_330, %mul3A_596 : i32
            %swap3A_598 = arith.index_cast %add3A_501 : i32 to index
            %swap3A_599 = arith.index_cast %mul3A_597 : i32 to index
            %swap3A_600 = tpu.vector_load %arg15[%swap3A_598, %swap3A_599] {strides = array<i32>} : memref<64x128xf32, #tpu.memory_space<vmem>>, vector<16xf32>,
            tpu.vector_store %arg15[%swap3A_598, %swap3A_599], %add3A_595 {strides = array<i32>} : memref<64x128xf32, #tpu.memory_space<vmem>>, vector<16xf32>,
            %mul3A_601 = arith.constant 8.000000e+00 : f32
            %mul3A_602 = vector.broadcast %mul3A_601 : f32 to vector<16xf32>
            %mul3A_603 = arith.mulf %gather3A_525, %mul3A_602 : vector<16xf32>
            %add3A_604 = arith.addf %mul3A_603, %get3A_549 : vector<16xf32>
            %mul3A_605 = arith.constant 16 : i32
            %mul3A_606 = arith.muli %scan3A_330, %mul3A_605 : i32
            %swap3A_607 = arith.index_cast %add3A_503 : i32 to index
            %swap3A_608 = arith.index_cast %mul3A_606 : i32 to index
            %swap3A_609 = tpu.vector_load %arg15[%swap3A_607, %swap3A_608] {strides = array<i32>} : memref<64x128xf32, #tpu.memory_space<vmem>>, vector<16xf32>,
            tpu.vector_store %arg15[%swap3A_607, %swap3A_608], %add3A_604 {strides = array<i32>} : memref<64x128xf32, #tpu.memory_space<vmem>>, vector<16xf32>,
            %mul3A_610 = arith.constant 8.000000e+00 : f32
            %mul3A_611 = vector.broadcast %mul3A_610 : f32 to vector<16xf32>
            %mul3A_612 = arith.mulf %gather3A_528, %mul3A_611 : vector<16xf32>
            %add3A_613 = arith.addf %mul3A_612, %get3A_552 : vector<16xf32>
            %mul3A_614 = arith.constant 16 : i32
            %mul3A_615 = arith.muli %scan3A_330, %mul3A_614 : i32
            %swap3A_616 = arith.index_cast %add3A_505 : i32 to index
            %swap3A_617 = arith.index_cast %mul3A_615 : i32 to index
            %swap3A_618 = tpu.vector_load %arg15[%swap3A_616, %swap3A_617] {strides = array<i32>} : memref<64x128xf32, #tpu.memory_space<vmem>>, vector<16xf32>,
            tpu.vector_store %arg15[%swap3A_616, %swap3A_617], %add3A_613 {strides = array<i32>} : memref<64x128xf32, #tpu.memory_space<vmem>>, vector<16xf32>,
            %mul3A_619 = arith.constant 8.000000e+00 : f32
            %mul3A_620 = vector.broadcast %mul3A_619 : f32 to vector<16xf32>
            %mul3A_621 = arith.mulf %gather3A_531, %mul3A_620 : vector<16xf32>
            %add3A_622 = arith.addf %mul3A_621, %get3A_555 : vector<16xf32>
            %mul3A_623 = arith.constant 16 : i32
            %mul3A_624 = arith.muli %scan3A_330, %mul3A_623 : i32
            %swap3A_625 = arith.index_cast %add3A_507 : i32 to index
            %swap3A_626 = arith.index_cast %mul3A_624 : i32 to index
            %swap3A_627 = tpu.vector_load %arg15[%swap3A_625, %swap3A_626] {strides = array<i32>} : memref<64x128xf32, #tpu.memory_space<vmem>>, vector<16xf32>,
            tpu.vector_store %arg15[%swap3A_625, %swap3A_626], %add3A_622 {strides = array<i32>} : memref<64x128xf32, #tpu.memory_space<vmem>>, vector<16xf32>,
            %scan3A_628 = arith.constant 0 : i32
            scf.yield %scan3A_628 : i32
          }
          %scan3A_346 = arith.constant 8 : i32
          %scan3A_347 = arith.constant 0 : i32
          scf.yield %scan3A_347 : i32
        }
        %scan3A_317 = arith.constant 8 : i32
        %dma_start3A_318 = arith.constant 0 : i32
        %dma_start3A_319 = tpu.memref_slice %arg5[%scan3A_192, %dma_start3A_318, %mul3A_2] : memref<200x64x4096xf32, #tpu.memory_space<hbm>> -> memref<1x64x128xf32, #tpu.memory_space<hbm>>
        %dma_start3A_320 = tpu.memref_squeeze %dma_start3A_319 : memref<1x64x128xf32, #tpu.memory_space<hbm>> -> memref<64x128xf32, #tpu.memory_space<hbm>>
        %dma_start3A_321 = arith.constant 0 : i32
        %dma_start3A_322 = tpu.memref_slice %arg5[%scan3A_192, %dma_start3A_321, %mul3A_2] : memref<200x64x4096xf32, #tpu.memory_space<hbm>> -> memref<1x64x128xf32, #tpu.memory_space<hbm>>
        %dma_start3A_323 = tpu.memref_squeeze %dma_start3A_322 : memref<1x64x128xf32, #tpu.memory_space<hbm>> -> memref<64x128xf32, #tpu.memory_space<hbm>>
        tpu.enqueue_dma source(%arg15 : memref<64x128xf32, #tpu.memory_space<vmem>>) target(%dma_start3A_323 : memref<64x128xf32, #tpu.memory_space<hbm>>) target_semaphore(%arg19 : memref<!tpu.dma_semaphore, #tpu.memory_space<semaphore_mem>>)
        %add3A_324 = arith.constant 2 : i32
        %add3A_325 = arith.addi %scan3A_192, %add3A_324 : i32
        %lt3A = arith.constant 200 : i32
        %lt3A_326 = arith.cmpi slt, %add3A_325, %lt3A : i32
        %convert_element_type3A_327 = arith.extui %lt3A_326 : i1 to i32
        %cond3A_328 = arith.constant 0 : i32
        %cond3A_329 = arith.cmpi ne, %convert_element_type3A_327, %cond3A_328 : i32
        scf.if %cond3A_329 {
          %add3A_330 = arith.constant 2 : i32
          %add3A_331 = arith.addi %scan3A_192, %add3A_330 : i32
          %get3A_332 = arith.index_cast %add3A_331 : i32 to index
          %get3A_333 = arith.constant 0 : index
          %get3A_334 = tpu.vector_load %arg6[%get3A_332, %get3A_333] {strides = array<i32>} : memref<200x128xi32, #tpu.memory_space<vmem>>, vector<16xi32>,
          %shift_right_logical3A_335 = arith.constant 1 : i32
          %shift_right_logical3A_336 = vector.broadcast %shift_right_logical3A_335 : i32 to vector<16xi32>
          %shift_right_logical3A_337 = arith.shrui %get3A_334, %shift_right_logical3A_336 : vector<16xi32>
          %swap3A_338 = arith.constant 0 : index
          %swap3A_339 = tpu.vector_load %arg11[%swap3A_338] {strides = array<i32>} : memref<128xi32, #tpu.memory_space<vmem>>, vector<16xi32>,
          tpu.vector_store %arg11[%swap3A_338], %shift_right_logical3A_337 {strides = array<i32>} : memref<128xi32, #tpu.memory_space<vmem>>, vector<16xi32>,
          %get3A_340 = arith.index_cast %add3A_331 : i32 to index
          %get3A_341 = arith.constant 16 : index
          %get3A_342 = tpu.vector_load %arg6[%get3A_340, %get3A_341] {strides = array<i32>} : memref<200x128xi32, #tpu.memory_space<vmem>>, vector<16xi32>,
          %shift_right_logical3A_343 = arith.constant 1 : i32
          %shift_right_logical3A_344 = vector.broadcast %shift_right_logical3A_343 : i32 to vector<16xi32>
          %shift_right_logical3A_345 = arith.shrui %get3A_342, %shift_right_logical3A_344 : vector<16xi32>
          %swap3A_346 = arith.constant 16 : index
          %swap3A_347 = tpu.vector_load %arg11[%swap3A_346] {strides = array<i32>} : memref<128xi32, #tpu.memory_space<vmem>>, vector<16xi32>,
          tpu.vector_store %arg11[%swap3A_346], %shift_right_logical3A_345 {strides = array<i32>} : memref<128xi32, #tpu.memory_space<vmem>>, vector<16xi32>,
          %get3A_348 = arith.index_cast %add3A_331 : i32 to index
          %get3A_349 = arith.constant 32 : index
          %get3A_350 = tpu.vector_load %arg6[%get3A_348, %get3A_349] {strides = array<i32>} : memref<200x128xi32, #tpu.memory_space<vmem>>, vector<16xi32>,
          %shift_right_logical3A_351 = arith.constant 1 : i32
          %shift_right_logical3A_352 = vector.broadcast %shift_right_logical3A_351 : i32 to vector<16xi32>
          %shift_right_logical3A_353 = arith.shrui %get3A_350, %shift_right_logical3A_352 : vector<16xi32>
          %swap3A_354 = arith.constant 32 : index
          %swap3A_355 = tpu.vector_load %arg11[%swap3A_354] {strides = array<i32>} : memref<128xi32, #tpu.memory_space<vmem>>, vector<16xi32>,
          tpu.vector_store %arg11[%swap3A_354], %shift_right_logical3A_353 {strides = array<i32>} : memref<128xi32, #tpu.memory_space<vmem>>, vector<16xi32>,
          %get3A_356 = arith.index_cast %add3A_331 : i32 to index
          %get3A_357 = arith.constant 48 : index
          %get3A_358 = tpu.vector_load %arg6[%get3A_356, %get3A_357] {strides = array<i32>} : memref<200x128xi32, #tpu.memory_space<vmem>>, vector<16xi32>,
          %shift_right_logical3A_359 = arith.constant 1 : i32
          %shift_right_logical3A_360 = vector.broadcast %shift_right_logical3A_359 : i32 to vector<16xi32>
          %shift_right_logical3A_361 = arith.shrui %get3A_358, %shift_right_logical3A_360 : vector<16xi32>
          %swap3A_362 = arith.constant 48 : index
          %swap3A_363 = tpu.vector_load %arg11[%swap3A_362] {strides = array<i32>} : memref<128xi32, #tpu.memory_space<vmem>>, vector<16xi32>,
          tpu.vector_store %arg11[%swap3A_362], %shift_right_logical3A_361 {strides = array<i32>} : memref<128xi32, #tpu.memory_space<vmem>>, vector<16xi32>,
          %get3A_364 = arith.index_cast %add3A_331 : i32 to index
          %get3A_365 = arith.constant 64 : index
          %get3A_366 = tpu.vector_load %arg6[%get3A_364, %get3A_365] {strides = array<i32>} : memref<200x128xi32, #tpu.memory_space<vmem>>, vector<16xi32>,
          %shift_right_logical3A_367 = arith.constant 1 : i32
          %shift_right_logical3A_368 = vector.broadcast %shift_right_logical3A_367 : i32 to vector<16xi32>
          %shift_right_logical3A_369 = arith.shrui %get3A_366, %shift_right_logical3A_368 : vector<16xi32>
          %swap3A_370 = arith.constant 64 : index
          %swap3A_371 = tpu.vector_load %arg11[%swap3A_370] {strides = array<i32>} : memref<128xi32, #tpu.memory_space<vmem>>, vector<16xi32>,
          tpu.vector_store %arg11[%swap3A_370], %shift_right_logical3A_369 {strides = array<i32>} : memref<128xi32, #tpu.memory_space<vmem>>, vector<16xi32>,
          %get3A_372 = arith.index_cast %add3A_331 : i32 to index
          %get3A_373 = arith.constant 80 : index
          %get3A_374 = tpu.vector_load %arg6[%get3A_372, %get3A_373] {strides = array<i32>} : memref<200x128xi32, #tpu.memory_space<vmem>>, vector<16xi32>,
          %shift_right_logical3A_375 = arith.constant 1 : i32
          %shift_right_logical3A_376 = vector.broadcast %shift_right_logical3A_375 : i32 to vector<16xi32>
          %shift_right_logical3A_377 = arith.shrui %get3A_374, %shift_right_logical3A_376 : vector<16xi32>
          %swap3A_378 = arith.constant 80 : index
          %swap3A_379 = tpu.vector_load %arg11[%swap3A_378] {strides = array<i32>} : memref<128xi32, #tpu.memory_space<vmem>>, vector<16xi32>,
          tpu.vector_store %arg11[%swap3A_378], %shift_right_logical3A_377 {strides = array<i32>} : memref<128xi32, #tpu.memory_space<vmem>>, vector<16xi32>,
          %get3A_380 = arith.index_cast %add3A_331 : i32 to index
          %get3A_381 = arith.constant 96 : index
          %get3A_382 = tpu.vector_load %arg6[%get3A_380, %get3A_381] {strides = array<i32>} : memref<200x128xi32, #tpu.memory_space<vmem>>, vector<16xi32>,
          %shift_right_logical3A_383 = arith.constant 1 : i32
          %shift_right_logical3A_384 = vector.broadcast %shift_right_logical3A_383 : i32 to vector<16xi32>
          %shift_right_logical3A_385 = arith.shrui %get3A_382, %shift_right_logical3A_384 : vector<16xi32>
          %swap3A_386 = arith.constant 96 : index
          %swap3A_387 = tpu.vector_load %arg11[%swap3A_386] {strides = array<i32>} : memref<128xi32, #tpu.memory_space<vmem>>, vector<16xi32>,
          tpu.vector_store %arg11[%swap3A_386], %shift_right_logical3A_385 {strides = array<i32>} : memref<128xi32, #tpu.memory_space<vmem>>, vector<16xi32>,
          %get3A_388 = arith.index_cast %add3A_331 : i32 to index
          %get3A_389 = arith.constant 112 : index
          %get3A_390 = tpu.vector_load %arg6[%get3A_388, %get3A_389] {strides = array<i32>} : memref<200x128xi32, #tpu.memory_space<vmem>>, vector<16xi32>,
          %shift_right_logical3A_391 = arith.constant 1 : i32
          %shift_right_logical3A_392 = vector.broadcast %shift_right_logical3A_391 : i32 to vector<16xi32>
          %shift_right_logical3A_393 = arith.shrui %get3A_390, %shift_right_logical3A_392 : vector<16xi32>
          %swap3A_394 = arith.constant 112 : index
          %swap3A_395 = tpu.vector_load %arg11[%swap3A_394] {strides = array<i32>} : memref<128xi32, #tpu.memory_space<vmem>>, vector<16xi32>,
          tpu.vector_store %arg11[%swap3A_394], %shift_right_logical3A_393 {strides = array<i32>} : memref<128xi32, #tpu.memory_space<vmem>>, vector<16xi32>,
          %dma_start3A_396 = arith.constant 0 : i32
          %dma_start3A_397 = arith.constant 0 : i32
          %dma_start3A_398 = tpu.memref_slice %arg13[%dma_start3A_396, %dma_start3A_397] : memref<128x129xf32, #tpu.memory_space<vmem>> -> memref<128x128xf32, #tpu.memory_space<vmem>>
          %dma_start3A_399 = arith.constant 0 : i32
          %dma_start3A_400 = arith.constant 0 : i32
          %dma_start3A_401 = tpu.memref_slice %arg2[%dma_start3A_399, %dma_start3A_400] : memref<500000x128xf32, #tpu.memory_space<hbm>> -> memref<500000x128xf32, #tpu.memory_space<hbm>>
          tpu.enqueue_indirect_dma source(%dma_start3A_401 : memref<500000x128xf32, #tpu.memory_space<hbm>>) target(%dma_start3A_398 : memref<128x128xf32, #tpu.memory_space<vmem>>) offsets(%arg11 : memref<128xi32, #tpu.memory_space<vmem>>) semaphore(%arg17 : memref<!tpu.dma_semaphore, #tpu.memory_space<semaphore_mem>>)
          %dma_start3A_402 = arith.constant 0 : i32
          %dma_start3A_403 = arith.constant 0 : i32
          %dma_start3A_404 = tpu.memref_slice %arg4[%add3A_331, %dma_start3A_402, %dma_start3A_403] : memref<200x64x16xf32, #tpu.memory_space<hbm>> -> memref<1x64x16xf32, #tpu.memory_space<hbm>>
          %dma_start3A_405 = tpu.memref_squeeze %dma_start3A_404 : memref<1x64x16xf32, #tpu.memory_space<hbm>> -> memref<64x16xf32, #tpu.memory_space<hbm>>
          %dma_start3A_406 = arith.constant 0 : i32
          %dma_start3A_407 = arith.constant 0 : i32
          %dma_start3A_408 = tpu.memref_slice %arg4[%add3A_331, %dma_start3A_406, %dma_start3A_407] : memref<200x64x16xf32, #tpu.memory_space<hbm>> -> memref<1x64x16xf32, #tpu.memory_space<hbm>>
          %dma_start3A_409 = tpu.memref_squeeze %dma_start3A_408 : memref<1x64x16xf32, #tpu.memory_space<hbm>> -> memref<64x16xf32, #tpu.memory_space<hbm>>
          tpu.enqueue_dma source(%dma_start3A_409 : memref<64x16xf32, #tpu.memory_space<hbm>>) target(%arg8 : memref<64x16xf32, #tpu.memory_space<vmem>>) target_semaphore(%arg21 : memref<!tpu.dma_semaphore, #tpu.memory_space<semaphore_mem>>)
        } else {
        }
      } else {
      }
      %scan3A_292 = arith.constant 0 : i32
      scf.yield %scan3A_292 : i32
    }
    %scan3A_178 = arith.constant 200 : i32
    %dma_wait3A = arith.constant 198 : i32
    %dma_wait3A_179 = arith.constant 0 : i32
    %dma_wait3A_180 = tpu.memref_slice %arg5[%dma_wait3A, %dma_wait3A_179, %mul3A_2] : memref<200x64x4096xf32, #tpu.memory_space<hbm>> -> memref<1x64x128xf32, #tpu.memory_space<hbm>>
    %dma_wait3A_181 = tpu.memref_squeeze %dma_wait3A_180 : memref<1x64x128xf32, #tpu.memory_space<hbm>> -> memref<64x128xf32, #tpu.memory_space<hbm>>
    %dma_wait3A_182 = arith.constant 0 : i32
    %dma_wait3A_183 = tpu.memref_slice %arg5[%dma_wait3A, %dma_wait3A_182, %mul3A_2] : memref<200x64x4096xf32, #tpu.memory_space<hbm>> -> memref<1x64x128xf32, #tpu.memory_space<hbm>>
    %dma_wait3A_184 = tpu.memref_squeeze %dma_wait3A_183 : memref<1x64x128xf32, #tpu.memory_space<hbm>> -> memref<64x128xf32, #tpu.memory_space<hbm>>
    tpu.wait_dma2 semaphore(%arg18 : memref<!tpu.dma_semaphore, #tpu.memory_space<semaphore_mem>>) src(%arg14 : memref<64x128xf32, #tpu.memory_space<vmem>>) dst(%dma_wait3A_184 : memref<64x128xf32, #tpu.memory_space<hbm>>)
    %dma_wait3A_185 = arith.constant 199 : i32
    %dma_wait3A_186 = arith.constant 0 : i32
    %dma_wait3A_187 = tpu.memref_slice %arg5[%dma_wait3A_185, %dma_wait3A_186, %mul3A_2] : memref<200x64x4096xf32, #tpu.memory_space<hbm>> -> memref<1x64x128xf32, #tpu.memory_space<hbm>>
    %dma_wait3A_188 = tpu.memref_squeeze %dma_wait3A_187 : memref<1x64x128xf32, #tpu.memory_space<hbm>> -> memref<64x128xf32, #tpu.memory_space<hbm>>
    %dma_wait3A_189 = arith.constant 0 : i32
    %dma_wait3A_190 = tpu.memref_slice %arg5[%dma_wait3A_185, %dma_wait3A_189, %mul3A_2] : memref<200x64x4096xf32, #tpu.memory_space<hbm>> -> memref<1x64x128xf32, #tpu.memory_space<hbm>>
    %dma_wait3A_191 = tpu.memref_squeeze %dma_wait3A_190 : memref<1x64x128xf32, #tpu.memory_space<hbm>> -> memref<64x128xf32, #tpu.memory_space<hbm>>
    tpu.wait_dma2 semaphore(%arg19 : memref<!tpu.dma_semaphore, #tpu.memory_space<semaphore_mem>>) src(%arg15 : memref<64x128xf32, #tpu.memory_space<vmem>>) dst(%dma_wait3A_191 : memref<64x128xf32, #tpu.memory_space<hbm>>)
    return
  }
}

</mosaic_0001>

<sc_bundles>
// kernel: kernel.3.cloned.1.call-start
scs
__scs_entry_jumppad:
0x0: {  	(pc) =	sbr.rel $0x88, $3  }
0x1: {  	(tag) =	ssettag $0x0;
	lr =	simm.s32 $0x1  }
0x2: {  	[smem:$0x3F9F] =	sst lr;
	_ =	strace $0xD0000000  }
0x3: {  	_ = 	snop  }
0x4: {  	_ = 	snop  }
0x5: {  	_ = 	snop  }
0x6: {  	_ = 	snop  }
0x7: {  	_ = 	snop  }
__scs_overlays_trampoline_lowered:
0x8: {  	[smem:$0x3FAE] =	sst s0  }
0x9: {  	[smem:$0x3FAF] =	sst s1  }
0xa: {  	[smem:$0x3FB0] =	sst s2  }
0xb: {  	[smem:$0x3FB1] =	sst s3  }
0xc: {  	[smem:$0x3FB2] =	sst s4  }
0xd: {  	[smem:$0x3FB3] =	sst s5  }
0xe: {  	[smem:$0x3FB4] =	sst s6  }
0xf: {  	[smem:$0x3FB5] =	sst s7  }
0x10: {  	[smem:$0x3FB6] =	sst s8  }
0x11: {  	[smem:$0x3FB7] =	sst s9;
	s0 =	simm.s32 @!p0 $0x0  }
0x12: {  	s1 =	sld [smem:$0x3F9D];
	s0 =	simm.s32 @p0 $0x1  }
0x13: {  	[smem:$0x3FB8] =	sst s0;
	s0 =	simm.s32 @!p1 $0x0  }
0x14: {  	s2 =	sld [smem:$0x3F9C];
	s0 =	simm.s32 @p1 $0x1  }
0x15: {  	[smem:$0x3FB9] =	sst s0;
	s0 =	simm.s32 @!p2 $0x0  }
0x16: {  	s3 =	sld [smem:$0x3FDB];
	s0 =	simm.s32 @p2 $0x1  }
0x17: {  	s4 =	simm.s32 $0x1BF5;
	[smem:$0x3FBB] =	sst s0  }
0x18: {  	s0 =	sld [smem:$0x3F9E];
	_ =	swait.ge [sflag:s4], $0x0  }
0x19: {  	s7 =	sld [smem:$0x3F9F]  }
0x1a: {  	s8 =	sadd.s32 $0xFFFFE003, lr  }
0x1b: {  	s9 =	sadd.s32 $0xFFFFFEF7, lr;
	s5 =	simm.s32 $0xFFFFFFFF;
	p2 =	slt.u32 s8, $0xFFFFF086  }
0x1c: {  	p1 =	slt.u32 s9, $0xF7A;
	s5 =	simm.s32 @!p2 $0x0  }
0x1d: {  	s5 =	simm.s32 @p1 $0x1;
	p0 =	seq.s32 s7, s2  }
0x1e: {  	s7 =	smul.u32 @!p0 $0xF7A, s2;
	p2 =	seq.s32 @!p0 s5, $0x0  }
0x1f: {  	s9 =	smul.u32 $0xF7A, s1;
	s8 =	simm.s32 @!p0 $0x1BF5;
	p2 =	por !p2, p0  }
0x20: {  	[sflag:s8] =	ssyncset.s32 @!p0 $0xFFFFF086;
	s6 =	sadd.s32 @!p0 s3, s7;
	s7 =	simm.s32 @!p0 $0x108  }
0x21: {  	s3 =	sadd.s32 s3, s9;
	s6 =	sadd.s32 @!p0 $0x88, s6;
	s7 =	simm.s32 @p2 $0x1082  }
0x22: {  	[simem:s7], [sflag:s8] =	dma.local @!p0 [hbm:s6], $0xF7A  }
0x23: {  	s9 =	sor.u32 $0xD0000000, s2;
	s6 =	simm.s32 $0x108;
	_ =	swait.ge @!p0 [sflag:s8], $0x0  }
0x24: {  	s3 =	sadd.s32 $0x88, s3;
	s6 =	simm.s32 @!p1 $0x1082;
	[sflag:s4] =	ssyncset.s32 $0xFFFFF086  }
0x25: {  	[simem:s6], [sflag:s4] =	dma.local [hbm:s3], $0xF7A  }
0x26: {  	[smem:$0x3F9F] =	sst s1;
	(tag) =	ssettag s2;
	_ =	strace s9  }
0x27: {  	s1 =	sld [smem:$0x3FAF]  }
0x28: {  	s2 =	sld [smem:$0x3FB0]  }
0x29: {  	s4 =	sld [smem:$0x3FB2]  }
0x2a: {  	p0 =	seq.s32 s5, $0x0;
	s5 =	sld [smem:$0x3FB3]  }
0x2b: {  	s6 =	sld [smem:$0x3FB4]  }
0x2c: {  	s7 =	sld [smem:$0x3FB5]  }
0x2d: {  	s3 =	simm.s32 $0x108;
	s8 =	sld [smem:$0x3FB6]  }
0x2e: {  	s3 =	simm.s32 @!p0 $0x1082;
	s9 =	sld [smem:$0x3FB7]  }
0x2f: {  	lr =	sadd.s32 s0, s3;
	s0 =	sld [smem:$0x3FAE]  }
0x30: {  	s3 =	sld [smem:$0x3FB1]  }
0x31: {  	[smem:$0x3FBA] =	sst s10  }
0x32: {  	s10 =	sld [smem:$0x3FB8];
	_ =	sdelay $0x3  }
0x33: {  	p0 =	seq.s32 s10, $0x1;
	s10 =	sld [smem:$0x3FBA];
	_ =	sdelay $0x3  }
0x34: {  	[smem:$0x3FBA] =	sst s10  }
0x35: {  	s10 =	sld [smem:$0x3FB9];
	_ =	sdelay $0x3  }
0x36: {  	p1 =	seq.s32 s10, $0x1;
	s10 =	sld [smem:$0x3FBA];
	_ =	sdelay $0x3  }
0x37: {  	[smem:$0x3FBA] =	sst s10  }
0x38: {  	s10 =	sld [smem:$0x3FBB]  }
0x39: {  	_ = 	snop;
	(pc) =	sbr.ind lr, $3  }
0x3a: {  	_ = 	snop  }
0x3b: {  	_ = 	snop  }
0x3c: {  	p2 =	seq.s32 s10, $0x1;
	s10 =	sld [smem:$0x3FBA]  }
0x3d: {  	_ =	shalt  }
0x3e: {  	_ =	shalt  }
0x3f: {  	_ =	shalt  }
0x40: {  	_ =	shalt  }
0x41: {  	_ =	shalt  }
0x42: {  	_ =	shalt  }
0x43: {  	_ =	shalt  }
0x44: {  	_ =	shalt  }
0x45: {  	_ =	shalt  }
0x46: {  	_ =	shalt  }
0x47: {  	_ =	shalt  }
0x48: {  	_ =	shalt  }
0x49: {  	_ =	shalt  }
0x4a: {  	_ =	shalt  }
0x4b: {  	_ =	shalt  }
0x4c: {  	_ =	shalt  }
0x4d: {  	_ =	shalt  }
0x4e: {  	_ =	shalt  }
0x4f: {  	_ =	shalt  }
0x50: {  	_ =	shalt  }
0x51: {  	_ =	shalt  }
0x52: {  	_ =	shalt  }
0x53: {  	_ =	shalt  }
0x54: {  	_ =	shalt  }
0x55: {  	_ =	shalt  }
0x56: {  	_ =	shalt  }
0x57: {  	_ =	shalt  }
0x58: {  	_ =	shalt  }
0x59: {  	_ =	shalt  }
0x5a: {  	_ =	shalt  }
0x5b: {  	_ =	shalt  }
0x5c: {  	_ =	shalt  }
0x5d: {  	_ =	shalt  }
0x5e: {  	_ =	shalt  }
0x5f: {  	_ =	shalt  }
0x60: {  	_ =	shalt  }
0x61: {  	_ =	shalt  }
0x62: {  	_ =	shalt  }
0x63: {  	_ =	shalt  }
0x64: {  	_ =	shalt  }
0x65: {  	_ =	shalt  }
0x66: {  	_ =	shalt  }
0x67: {  	_ =	shalt  }
0x68: {  	_ =	shalt  }
0x69: {  	_ =	shalt  }
0x6a: {  	_ =	shalt  }
0x6b: {  	_ =	shalt  }
0x6c: {  	_ =	shalt  }
0x6d: {  	_ =	shalt  }
0x6e: {  	_ =	shalt  }
0x6f: {  	_ =	shalt  }
0x70: {  	_ =	shalt  }
0x71: {  	_ =	shalt  }
0x72: {  	_ =	shalt  }
0x73: {  	_ =	shalt  }
0x74: {  	_ =	shalt  }
0x75: {  	_ =	shalt  }
0x76: {  	_ =	shalt  }
0x77: {  	_ =	shalt  }
0x78: {  	_ =	shalt  }
0x79: {  	_ =	shalt  }
0x7a: {  	_ =	shalt  }
0x7b: {  	_ =	shalt  }
0x7c: {  	_ =	shalt  }
0x7d: {  	_ =	shalt  }
0x7e: {  	_ =	shalt  }
0x7f: {  	_ =	shalt  }
0x80: {  	_ =	shalt  }
0x81: {  	_ =	shalt  }
0x82: {  	_ =	shalt  }
0x83: {  	_ =	shalt  }
0x84: {  	_ =	shalt  }
0x85: {  	_ =	shalt  }
0x86: {  	_ =	shalt  }
0x87: {  	_ =	shalt  }
.Lfunc_end0:
.L_simem_size_0:
called_computation_lowered:
.L_overlay_start_0:
0x88: {  	s2 =	sld [smem:$0x3FD9]  }
0x89: {  	s3 =	sld [smem:$0x3FFE];
	_ =	sdelay $0x1  }
0x8a: {  	s1 =	srdreg.scid  }
0x8b: {  	s0 =	sand.u32 $0x1, s1  }
0x8c: {  	s17 =	sshll.u32 s0, $0xA;
	s2 =	sadd.s32 s3, s2  }
0x8d: {  	s2 =	sadd.s32 s2, s17  }
0x8e: {  	[smem:$0x3FC6] =	sst s2  }
0x8f: {  	_ = 	snop  }
0x90: {  	s2 =	sld [smem:$0x3FC9]  }
0x91: {  	s18 =	sld [smem:$0x3FD0];
	(tm) =	ssettm $0x1  }
0x92: {  	s4 =	sld [smem:$0x3FFB];
	_ =	sdelay $0x3  }
0x93: {  	_ =	strace s4  }
0x94: {  	s4 =	sld [smem:$0x3FFC];
	_ =	sdelay $0x3  }
0x95: {  	_ =	strace s4  }
0x96: {  	s4 =	sld [smem:$0x3FFD];
	_ =	sdelay $0x3  }
0x97: {  	_ =	strace s4  }
0x98: {  	_ =	strace $0x8FFFFFFF  }
0x99: {  	s19 =	sld [smem:$0x3FDB];
	_ =	sdelay $0x1  }
0x9a: {  	s5 =	simm.s32 $_scs_section_size  }
0x9b: {  	s6 =	simm.s32 $_size__tile_overlayer_lowered;
	s7 =	simm.s32 $_tile_overlayer_lowered  }
0x9c: {  	s22 =	simm.s32 $0x1BFF;
	s21 =	sshll.u32 s7, $0x1;
	s4 =	sadd.s32 s5, s19  }
0x9d: {  	s8 =	simm.s32 $0x0;
	s20 =	sshll.u32 s6, $0x1;
	s6 =	sadd.s32 s21, s4  }
0x9e: {  	[timem:s8], [sflag:s22] =	dma.local [hbm:s6], s20  }
0x9f: {  	_ =	swait.ge [sflag:s22], s20  }
0xa0: {  	s5 =	ssub.s32 $0x0, s20;
	[sflag:s22] =	ssyncset.done $0x0  }
0xa1: {  	[sflag:s22] =	ssyncadd.s32 s5;
	_ =	sdelay $0x1  }
0xa2: {  	s23 =	simm.s32 $0x1B8B  }
0xa3: {  	_ =	swait.ge [sflag:s23], $0x1  }
0xa4: {  	[sflag:s23] =	ssyncset.done $0x0  }
0xa5: {  	s25 =	simm.s32 $0x1B8E;
	s24 =	sld [smem:$0x3FFE];
	[sflag:s23] =	ssyncadd.s32 $0xFFFFFFFF  }
0xa6: {  	s26 =	simm.s32 $execute0_lowered;
	[smem:$0x3FD2] =	sst s25  }
0xa7: {  	s6 =	sshll.u32 s26, $0x1;
	_ =	strace $0x80000046;
	[dreg:$0x1] =	wrdreg $0xFFFFFFFF  }
0xa8: {  	s28 =	simm.s32 $_size_execute0_lowered;
	s4 =	sadd.s32 s4, s6;
	[dreg:$0x0] =	wrdreg $0x0  }
0xa9: {  	s6 =	sshll.u32 s28, $0x1;
	[dreg:$0x2] =	wrdreg s4  }
0xaa: {  	[dreg:$0x3] =	wrdreg s6  }
0xab: {  	[dreg:$0x4] =	wrdreg $0xC0  }
0xac: {  	_ =	task [dreg:s8], $0x5FFFF  }
0xad: {  	[dreg:$0x1] =	wrdreg $0xFFFFFFFF  }
0xae: {  	[dreg:$0x0] =	wrdreg $0x60  }
0xaf: {  	[dreg:$0x2] =	wrdreg s24  }
0xb0: {  	[dreg:$0x3] =	wrdreg s2  }
0xb1: {  	[dreg:$0x4] =	wrdreg s18  }
0xb2: {  	[dreg:$0x5] =	wrdreg $0x9  }
0xb3: {  	_ =	task.clear_ibuf [dreg:s8], $0x6FFFF;
	_ =	strace $0x90000046  }
0xb4: {  	s29 =	simm.s32 $0x9;
	_ =	strace $0x80000048  }
0xb5: {  	_ =	swait.ge [sflag:s29], $0x1  }
0xb6: {  	[sflag:s29] =	ssyncadd.s32 $0xFFFFFFFF  }
0xb7: {  	_ =	strace $0x90000048  }
0xb8: {  	_ =	sfence  }
0xb9: {  	s30 =	sld [smem:$0x0];
	_ =	sdelay $0x2  }
0xba: {  	s31 =	sshll.u32 s1, $0xD;
	s1 =	sshrl.u32 s1, $0x2  }
0xbb: {  	s3 =	sand.u32 $0x4000, s31;
	s1 =	sadd.s32 s1, s30  }
0xbc: {  	s0 =	sor.u32 s3, s0;
	s1 =	sshll.u32 s1, $0x11  }
0xbd: {  	s0 =	sor.u32 s1, s0  }
0xbe: {  	s0 =	sadd.s32 $0x8F2B, s0  }
0xbf: {  	[sflag:s0] =	ssyncadd.remote.s32 $0x1  }
0xc0: {  	_ =	sfence.sel $0xFFFF  }
0xc1: {  	[dreg:$0x0] =	wrdreg $0xFFFFFFFF;
	(pc) =	sbr.abs _section_cstart, $3  }
0xc2: {  	[dreg:$0x1] =	wrdreg $0xFFFFFFFF  }
0xc3: {  	_ =	task.clear_ibuf [dreg:s8], $0x2FFFF;
	_ =	strace $0x9FFFFFFF  }
0xc4: {  	(tm) =	ssettm $0x7FFFFFFF  }
0xc5: {  	_ =	shalt  }
tec
execute0_lowered:
.L_overlay_start_1:
0x0: {  	(tag) =	ssettag $0x1  }
0x1: {  	s0 =	rddreg [dreg:$0x0]  }
0x2: {  	s1 =	rddreg [dreg:$0x1]  }
0x3: {  	s2 =	rddreg [dreg:$0x2]  }
0x4: {  	s4 =	srdreg.scid;
	s3 =	simm.s32 $0x0;
	s5 =	stileid.u32  }
0x5: {  	s10 =	simm.s32 $0x400;
	s11 =	simm.s32 $0x8000;
	s13 =	simm.s32 $0xA580  }
0x6: {  	s31 =	simm.s32 $0x12580;
	s24 =	simm.s32 $0x2;
	s25 =	simm.s32 $0x6  }
0x7: {  	s28 =	simm.s32 $0x1;
	s29 =	simm.s32 $0x5;
	s4 =	sand.u32 $0x1, s4  }
0x8: {  	[smem:$0x7FF] =	sst s3;
	s5 =	sshll.u32 s5, $0xB;
	s6 =	sshll.u32 s4, $0xA  }
0x9: {  	_ =	strace $0x80000047;
	s7 =	ssub.s32 $0x2, s4;
	s4 =	sor.u32 s6, s5  }
.Ltmp0:
0xa: {  	s5 =	sadd.s32 $0xF42A00, s0;
	s8 =	sshrl.u32 s7, $0x1;
	(pc) =	sbr.rel .LBB2_1-.Ltmp0, $4  }
0xb: {  	s6 =	sadd.s32 $0x600, s0;
	s0 =	sadd.s32 $0xA00, s0;
	s9 =	sshrl.u32 s4, $0x3  }
0xc: {  	v3 =	vlaneseq.u32;
	vm0 =	vmmov $0xff;
	s7 =	ssub.s32 s7, s8;
	[dreg:$0x5] =	wrdreg s0;
	s1 =	sadd.s32 s1, s9  }
0xd: {  	s30 =	simm.s32 $0x1A580;
	v1 =	vshrl.u32 v3, $0x3;
	v0 =	vand.u32 $0x7, v3;
	v2 =	vor.u32 $0x8, v3;
	s26 =	smax.u32 s7, $0x1;
	[dreg:$0x4] =	wrdreg s1  }
0xe: {  	v3 =	vmul.u32 $0x100, v3;
	v1 =	vmul.u32 $0x8, v1;
	v4 =	vmul.u32 $0x80, v0;
	s0 =	simm.s32 $0x0;
	[dreg:$0x6] =	wrdreg s26;
	s26 =	simm.s32 $0x1C580  }
.LBB2_16:
0xf: {  	s1 =	simm.s32 $0x3  }
0x10: {  	_ =	swait.ge [sflag:s1], $0x2000  }
0x11: {  	[sflag:s1] =	ssyncset.done $0x0  }
0x12: {  	s7 =	simm.s32 $0x4;
	[sflag:s1] =	ssyncadd.s32 $0xFFFFE000  }
0x13: {  	_ =	swait.ge [sflag:s7], $0x2000  }
0x14: {  	s0 =	sadd.s32 $0x1, s0;
	s23 =	rddreg [dreg:$0x6]  }
0x15: {  	p0 =	sne.s32 s0, s23  }
.Ltmp1:
0x16: {  	_ = 	snop;
	(pc) =	sbr.rel @!p0 .LBB2_17-.Ltmp1, $3  }
0x17: {  	_ =	sdelay $0x1  }
0x18: {  	[sflag:s7] =	ssyncset.done $0x0  }
0x19: {  	[sflag:s7] =	ssyncadd.s32 $0xFFFFE000  }
.LBB2_1:
0x1a: {  	s1 =	rddreg [dreg:$0x4];
	s19 =	simm.s32 $0x7  }
0x1b: {  	[tilespmem:s3], [sflag:$0x7] =	stream.strided.gather [hbm4b:s1+s10], $0x6400, s11, s10, $0x38;
	[tilespmem:$0x1E580] =	vst v63  }
0x1c: {  	_ =	swait.ge [sflag:s19], $0x6400  }
0x1d: {  	[sflag:s19] =	ssyncset.done $0x0  }
0x1e: {  	[sflag:s19] =	ssyncadd.s32 $0xFFFF9C00  }
0x1f: {  	v5 =	vld [tilespmem:$0x0]  }
0x20: {  	v6 =	vld [tilespmem:$0x10]  }
0x21: {  	v7 =	vld [tilespmem:$0x20];
	_ =	sdelay $0x1  }
0x22: {  	v8 =	vld [tilespmem:$0x30]  }
0x23: {  	v9 =	vld [tilespmem:$0x40]  }
0x24: {  	v10 =	vld [tilespmem:$0x50];
	v6 =	vshrl.u32 v6, $0x1  }
0x25: {  	v5 =	vshrl.u32 v5, $0x1;
	[tilespmem:$0xA490] =	vst v6;
	v6 =	vshrl.u32 v7, $0x1;
	v7 =	vld [tilespmem:$0x60]  }
0x26: {  	v11 =	vperm.xlane v5, v0;
	[tilespmem:$0xA4A0] =	vst v6;
	v6 =	vld [tilespmem:$0x70]  }
0x27: {  	v8 =	vshrl.u32 v8, $0x1;
	[tilespmem:$0xA480] =	vst v5  }
0x28: {  	v56 =	vshrl.u32 v9, $0x1;
	[tilespmem:$0xA4B0] =	vst v8;
	v5 =	vperm.xlane v5, v2;
	v57 =	vadd.s32 v1, v11  }
0x29: {  	v58 =	vshrl.u32 v10, $0x1;
	[tilespmem:$0xA4C0] =	vst v56  }
0x2a: {  	[tilespmem:$0xA4D0] =	vst v58;
	v5 =	vadd.s32 v1, v5;
	v7 =	vshrl.u32 v7, $0x1  }
0x2b: {  	[tilespmem:$0xA4E0] =	vst v7;
	v6 =	vshrl.u32 v6, $0x1  }
0x2c: {  	[tilespmem:$0xA4F0] =	vst v6  }
0x2d: {  	[tilespmem:s13], [sflag:$0x1] =	stream.indirect_vreg.gather [hbm4b:s5+s3], $0x80, v57, vm0, $0xb8;
	[tilespmem:$0x1E580] =	vst v63  }
0x2e: {  	s20 =	simm.s32 $0xAD80  }
0x2f: {  	[tilespmem:s20], [sflag:$0x1] =	stream.indirect_vreg.gather [hbm4b:s5+s3], $0x80, v5, vm0, $0xb8;
	[tilespmem:$0x1E580] =	vst v63  }
0x30: {  	v5 =	vld [tilespmem:$0xA490];
	_ =	sdelay $0x4  }
0x31: {  	v6 =	vperm.xlane v5, v0;
	_ =	sdelay $0x1  }
0x32: {  	v5 =	vperm.xlane v5, v2;
	v6 =	vadd.s32 v1, v6;
	_ =	sdelay $0x1  }
0x33: {  	v5 =	vadd.s32 v1, v5;
	_ =	sdelay $0x1  }
0x34: {  	s21 =	simm.s32 $0xB580  }
0x35: {  	[tilespmem:s21], [sflag:$0x1] =	stream.indirect_vreg.gather [hbm4b:s5+s3], $0x80, v6, vm0, $0xb8;
	[tilespmem:$0x1E580] =	vst v63  }
0x36: {  	s22 =	simm.s32 $0xBD80  }
0x37: {  	[tilespmem:s22], [sflag:$0x1] =	stream.indirect_vreg.gather [hbm4b:s5+s3], $0x80, v5, vm0, $0xb8;
	[tilespmem:$0x1E580] =	vst v63  }
0x38: {  	v5 =	vld [tilespmem:$0xA4A0];
	_ =	sdelay $0x4  }
0x39: {  	v6 =	vperm.xlane v5, v0;
	_ =	sdelay $0x1  }
0x3a: {  	v5 =	vperm.xlane v5, v2;
	v6 =	vadd.s32 v1, v6;
	_ =	sdelay $0x1  }
0x3b: {  	v5 =	vadd.s32 v1, v5;
	_ =	sdelay $0x1  }
0x3c: {  	s23 =	simm.s32 $0xC580  }
0x3d: {  	[tilespmem:s23], [sflag:$0x1] =	stream.indirect_vreg.gather [hbm4b:s5+s3], $0x80, v6, vm0, $0xb8;
	[tilespmem:$0x1E580] =	vst v63  }
0x3e: {  	s7 =	simm.s32 $0xCD80  }
0x3f: {  	[tilespmem:s7], [sflag:$0x1] =	stream.indirect_vreg.gather [hbm4b:s5+s3], $0x80, v5, vm0, $0xb8;
	[tilespmem:$0x1E580] =	vst v63  }
0x40: {  	v5 =	vld [tilespmem:$0xA4B0];
	_ =	sdelay $0x4  }
0x41: {  	v6 =	vperm.xlane v5, v0;
	_ =	sdelay $0x1  }
0x42: {  	v5 =	vperm.xlane v5, v2;
	v6 =	vadd.s32 v1, v6;
	_ =	sdelay $0x1  }
0x43: {  	v5 =	vadd.s32 v1, v5;
	_ =	sdelay $0x1  }
0x44: {  	s8 =	simm.s32 $0xD580  }
0x45: {  	[tilespmem:s8], [sflag:$0x1] =	stream.indirect_vreg.gather [hbm4b:s5+s3], $0x80, v6, vm0, $0xb8;
	[tilespmem:$0x1E580] =	vst v63  }
0x46: {  	s9 =	simm.s32 $0xDD80  }
0x47: {  	[tilespmem:s9], [sflag:$0x1] =	stream.indirect_vreg.gather [hbm4b:s5+s3], $0x80, v5, vm0, $0xb8;
	[tilespmem:$0x1E580] =	vst v63  }
0x48: {  	v5 =	vld [tilespmem:$0xA4C0];
	_ =	sdelay $0x4  }
0x49: {  	v6 =	vperm.xlane v5, v0;
	_ =	sdelay $0x1  }
0x4a: {  	v5 =	vperm.xlane v5, v2;
	v6 =	vadd.s32 v1, v6;
	_ =	sdelay $0x1  }
0x4b: {  	v5 =	vadd.s32 v1, v5;
	_ =	sdelay $0x1  }
0x4c: {  	s12 =	simm.s32 $0xE580  }
0x4d: {  	[tilespmem:s12], [sflag:$0x1] =	stream.indirect_vreg.gather [hbm4b:s5+s3], $0x80, v6, vm0, $0xb8;
	[tilespmem:$0x1E580] =	vst v63  }
0x4e: {  	s14 =	simm.s32 $0xED80  }
0x4f: {  	[tilespmem:s14], [sflag:$0x1] =	stream.indirect_vreg.gather [hbm4b:s5+s3], $0x80, v5, vm0, $0xb8;
	[tilespmem:$0x1E580] =	vst v63  }
0x50: {  	v5 =	vld [tilespmem:$0xA4D0];
	_ =	sdelay $0x4  }
0x51: {  	v6 =	vperm.xlane v5, v0;
	_ =	sdelay $0x1  }
0x52: {  	v5 =	vperm.xlane v5, v2;
	v6 =	vadd.s32 v1, v6;
	_ =	sdelay $0x1  }
0x53: {  	v5 =	vadd.s32 v1, v5;
	_ =	sdelay $0x1  }
0x54: {  	s15 =	simm.s32 $0xF580  }
0x55: {  	[tilespmem:s15], [sflag:$0x1] =	stream.indirect_vreg.gather [hbm4b:s5+s3], $0x80, v6, vm0, $0xb8;
	[tilespmem:$0x1E580] =	vst v63  }
0x56: {  	s16 =	simm.s32 $0xFD80  }
0x57: {  	[tilespmem:s16], [sflag:$0x1] =	stream.indirect_vreg.gather [hbm4b:s5+s3], $0x80, v5, vm0, $0xb8;
	[tilespmem:$0x1E580] =	vst v63  }
0x58: {  	v5 =	vld [tilespmem:$0xA4E0];
	_ =	sdelay $0x4  }
0x59: {  	v6 =	vperm.xlane v5, v0;
	_ =	sdelay $0x1  }
0x5a: {  	v5 =	vperm.xlane v5, v2;
	v6 =	vadd.s32 v1, v6;
	_ =	sdelay $0x1  }
0x5b: {  	v5 =	vadd.s32 v1, v5;
	_ =	sdelay $0x1  }
0x5c: {  	s17 =	simm.s32 $0x10580  }
0x5d: {  	[tilespmem:s17], [sflag:$0x1] =	stream.indirect_vreg.gather [hbm4b:s5+s3], $0x80, v6, vm0, $0xb8;
	[tilespmem:$0x1E580] =	vst v63  }
0x5e: {  	s18 =	simm.s32 $0x10D80  }
0x5f: {  	[tilespmem:s18], [sflag:$0x1] =	stream.indirect_vreg.gather [hbm4b:s5+s3], $0x80, v5, vm0, $0xb8;
	[tilespmem:$0x1E580] =	vst v63  }
0x60: {  	v5 =	vld [tilespmem:$0xA4F0];
	_ =	sdelay $0x4  }
0x61: {  	v6 =	vperm.xlane v5, v0;
	_ =	sdelay $0x1  }
0x62: {  	v5 =	vperm.xlane v5, v2;
	v6 =	vadd.s32 v1, v6;
	_ =	sdelay $0x1  }
0x63: {  	v5 =	vadd.s32 v1, v5;
	_ =	sdelay $0x1  }
0x64: {  	s19 =	simm.s32 $0x11580  }
0x65: {  	[tilespmem:s19], [sflag:$0x1] =	stream.indirect_vreg.gather [hbm4b:s5+s3], $0x80, v6, vm0, $0xb8;
	[tilespmem:$0x1E580] =	vst v63  }
0x66: {  	s20 =	simm.s32 $0x11D80  }
0x67: {  	[tilespmem:s20], [sflag:$0x1] =	stream.indirect_vreg.gather [hbm4b:s5+s3], $0x80, v5, vm0, $0xb8;
	[tilespmem:$0x1E580] =	vst v63  }
0x68: {  	s21 =	simm.s32 $0x6400  }
0x69: {  	[tilespmem:s21], [sflag:$0x5] =	stream.linear.gather [hbm4b:s6+s3], $0x2000, $0x38;
	[tilespmem:$0x1E580] =	vst v63  }
0x6a: {  	v5 =	vld [tilespmem:$0x80]  }
0x6b: {  	v6 =	vld [tilespmem:$0x90]  }
0x6c: {  	v7 =	vld [tilespmem:$0xA0];
	_ =	sdelay $0x1  }
0x6d: {  	v59 =	vld [tilespmem:$0xB0]  }
0x6e: {  	v9 =	vld [tilespmem:$0xC0]  }
0x6f: {  	v60 =	vld [tilespmem:$0xD0];
	v6 =	vshrl.u32 v6, $0x1  }
0x70: {  	v5 =	vshrl.u32 v5, $0x1;
	[tilespmem:$0xA510] =	vst v6;
	v6 =	vshrl.u32 v7, $0x1;
	v7 =	vld [tilespmem:$0xE0]  }
0x71: {  	v61 =	vld [tilespmem:$0xF0];
	v62 =	vperm.xlane v5, v0;
	[tilespmem:$0xA500] =	vst v5  }
0x72: {  	[tilespmem:$0xA520] =	vst v6;
	v6 =	vshrl.u32 v59, $0x1  }
0x73: {  	v5 =	vperm.xlane v5, v2;
	[tilespmem:$0xA530] =	vst v6;
	v6 =	vshrl.u32 v9, $0x1;
	v63 =	vadd.s32 v1, v62  }
0x74: {  	[tilespmem:$0xA540] =	vst v6;
	v6 =	vshrl.u32 v60, $0x1  }
0x75: {  	v5 =	vadd.s32 v1, v5;
	[tilespmem:$0xA550] =	vst v6;
	v6 =	vshrl.u32 v7, $0x1  }
0x76: {  	[tilespmem:$0xA560] =	vst v6;
	v6 =	vshrl.u32 v61, $0x1  }
0x77: {  	[tilespmem:$0xA570] =	vst v6  }
0x78: {  	[tilespmem:s31], [sflag:$0x2] =	stream.indirect_vreg.gather [hbm4b:s5+s3], $0x80, v63, vm0, $0xb8;
	[tilespmem:$0x1E580] =	vst v63  }
0x79: {  	s22 =	simm.s32 $0x12D80  }
0x7a: {  	[tilespmem:s22], [sflag:$0x2] =	stream.indirect_vreg.gather [hbm4b:s5+s3], $0x80, v5, vm0, $0xb8;
	[tilespmem:$0x1E580] =	vst v63  }
0x7b: {  	v5 =	vld [tilespmem:$0xA510];
	_ =	sdelay $0x4  }
0x7c: {  	v6 =	vperm.xlane v5, v0;
	_ =	sdelay $0x1  }
0x7d: {  	v5 =	vperm.xlane v5, v2;
	v6 =	vadd.s32 v1, v6;
	_ =	sdelay $0x1  }
0x7e: {  	v5 =	vadd.s32 v1, v5;
	_ =	sdelay $0x1  }
0x7f: {  	s23 =	simm.s32 $0x13580  }
0x80: {  	[tilespmem:s23], [sflag:$0x2] =	stream.indirect_vreg.gather [hbm4b:s5+s3], $0x80, v6, vm0, $0xb8;
	[tilespmem:$0x1E580] =	vst v63  }
0x81: {  	s7 =	simm.s32 $0x13D80  }
0x82: {  	[tilespmem:s7], [sflag:$0x2] =	stream.indirect_vreg.gather [hbm4b:s5+s3], $0x80, v5, vm0, $0xb8;
	[tilespmem:$0x1E580] =	vst v63  }
0x83: {  	v5 =	vld [tilespmem:$0xA520];
	_ =	sdelay $0x4  }
0x84: {  	v6 =	vperm.xlane v5, v0;
	_ =	sdelay $0x1  }
0x85: {  	v5 =	vperm.xlane v5, v2;
	v6 =	vadd.s32 v1, v6;
	_ =	sdelay $0x1  }
0x86: {  	v5 =	vadd.s32 v1, v5;
	_ =	sdelay $0x1  }
0x87: {  	s8 =	simm.s32 $0x14580  }
0x88: {  	[tilespmem:s8], [sflag:$0x2] =	stream.indirect_vreg.gather [hbm4b:s5+s3], $0x80, v6, vm0, $0xb8;
	[tilespmem:$0x1E580] =	vst v63  }
0x89: {  	s9 =	simm.s32 $0x14D80  }
0x8a: {  	[tilespmem:s9], [sflag:$0x2] =	stream.indirect_vreg.gather [hbm4b:s5+s3], $0x80, v5, vm0, $0xb8;
	[tilespmem:$0x1E580] =	vst v63  }
0x8b: {  	v5 =	vld [tilespmem:$0xA530];
	_ =	sdelay $0x4  }
0x8c: {  	v6 =	vperm.xlane v5, v0;
	_ =	sdelay $0x1  }
0x8d: {  	v5 =	vperm.xlane v5, v2;
	v6 =	vadd.s32 v1, v6;
	_ =	sdelay $0x1  }
0x8e: {  	v5 =	vadd.s32 v1, v5;
	_ =	sdelay $0x1  }
0x8f: {  	s12 =	simm.s32 $0x15580  }
0x90: {  	[tilespmem:s12], [sflag:$0x2] =	stream.indirect_vreg.gather [hbm4b:s5+s3], $0x80, v6, vm0, $0xb8;
	[tilespmem:$0x1E580] =	vst v63  }
0x91: {  	s14 =	simm.s32 $0x15D80  }
0x92: {  	[tilespmem:s14], [sflag:$0x2] =	stream.indirect_vreg.gather [hbm4b:s5+s3], $0x80, v5, vm0, $0xb8;
	[tilespmem:$0x1E580] =	vst v63  }
0x93: {  	v5 =	vld [tilespmem:$0xA540];
	_ =	sdelay $0x4  }
0x94: {  	v6 =	vperm.xlane v5, v0;
	_ =	sdelay $0x1  }
0x95: {  	v5 =	vperm.xlane v5, v2;
	v6 =	vadd.s32 v1, v6;
	_ =	sdelay $0x1  }
0x96: {  	v5 =	vadd.s32 v1, v5;
	_ =	sdelay $0x1  }
0x97: {  	s15 =	simm.s32 $0x16580  }
0x98: {  	[tilespmem:s15], [sflag:$0x2] =	stream.indirect_vreg.gather [hbm4b:s5+s3], $0x80, v6, vm0, $0xb8;
	[tilespmem:$0x1E580] =	vst v63  }
0x99: {  	s16 =	simm.s32 $0x16D80  }
0x9a: {  	[tilespmem:s16], [sflag:$0x2] =	stream.indirect_vreg.gather [hbm4b:s5+s3], $0x80, v5, vm0, $0xb8;
	[tilespmem:$0x1E580] =	vst v63  }
0x9b: {  	v5 =	vld [tilespmem:$0xA550];
	_ =	sdelay $0x4  }
0x9c: {  	v6 =	vperm.xlane v5, v0;
	_ =	sdelay $0x1  }
0x9d: {  	v5 =	vperm.xlane v5, v2;
	v6 =	vadd.s32 v1, v6;
	_ =	sdelay $0x1  }
0x9e: {  	v5 =	vadd.s32 v1, v5;
	_ =	sdelay $0x1  }
0x9f: {  	s17 =	simm.s32 $0x17580  }
0xa0: {  	[tilespmem:s17], [sflag:$0x2] =	stream.indirect_vreg.gather [hbm4b:s5+s3], $0x80, v6, vm0, $0xb8;
	[tilespmem:$0x1E580] =	vst v63  }
0xa1: {  	s18 =	simm.s32 $0x17D80  }
0xa2: {  	[tilespmem:s18], [sflag:$0x2] =	stream.indirect_vreg.gather [hbm4b:s5+s3], $0x80, v5, vm0, $0xb8;
	[tilespmem:$0x1E580] =	vst v63  }
0xa3: {  	v5 =	vld [tilespmem:$0xA560];
	_ =	sdelay $0x4  }
0xa4: {  	v6 =	vperm.xlane v5, v0;
	_ =	sdelay $0x1  }
0xa5: {  	v5 =	vperm.xlane v5, v2;
	v6 =	vadd.s32 v1, v6;
	_ =	sdelay $0x1  }
0xa6: {  	v5 =	vadd.s32 v1, v5;
	_ =	sdelay $0x1  }
0xa7: {  	s19 =	simm.s32 $0x18580  }
0xa8: {  	[tilespmem:s19], [sflag:$0x2] =	stream.indirect_vreg.gather [hbm4b:s5+s3], $0x80, v6, vm0, $0xb8;
	[tilespmem:$0x1E580] =	vst v63  }
0xa9: {  	s20 =	simm.s32 $0x18D80  }
0xaa: {  	[tilespmem:s20], [sflag:$0x2] =	stream.indirect_vreg.gather [hbm4b:s5+s3], $0x80, v5, vm0, $0xb8;
	[tilespmem:$0x1E580] =	vst v63  }
0xab: {  	v5 =	vld [tilespmem:$0xA570];
	_ =	sdelay $0x4  }
0xac: {  	v6 =	vperm.xlane v5, v0;
	_ =	sdelay $0x1  }
0xad: {  	v6 =	vadd.s32 v1, v6  }
0xae: {  	v5 =	vperm.xlane v5, v2;
	_ =	sdelay $0x1  }
0xaf: {  	v5 =	vadd.s32 v1, v5  }
0xb0: {  	s21 =	simm.s32 $0x19580  }
0xb1: {  	[tilespmem:s21], [sflag:$0x2] =	stream.indirect_vreg.gather [hbm4b:s5+s3], $0x80, v6, vm0, $0xb8;
	[tilespmem:$0x1E580] =	vst v63  }
.Ltmp2:
0xb2: {  	_ = 	snop;
	(pc) =	sbr.rel .LBB2_2-.Ltmp2, $4  }
0xb3: {  	s22 =	simm.s32 $0x19D80  }
0xb4: {  	[tilespmem:s22], [sflag:$0x2] =	stream.indirect_vreg.gather [hbm4b:s5+s3], $0x80, v5, vm0, $0xb8;
	[tilespmem:$0x1E580] =	vst v63  }
0xb5: {  	s1 =	simm.s32 $0x0;
	s23 =	rddreg [dreg:$0x5];
	s7 =	simm.s32 $0x8400  }
0xb6: {  	[tilespmem:s7], [sflag:$0x6] =	stream.linear.gather [hbm4b:s23+s3], $0x2000, $0x38;
	[tilespmem:$0x1E580] =	vst v63  }
.LBB2_15:
0xb7: {  	s1 =	sadd.s32 $0x1, s1  }
0xb8: {  	p0 =	sne.s32 s1, $0xC8  }
.Ltmp3:
0xb9: {  	_ = 	snop;
	(pc) =	sbr.rel @!p0 .LBB2_16-.Ltmp3, $1  }
0xba: {  	_ =	sdelay $0x3  }
.LBB2_2:
0xbb: {  	s7 =	sshll.u32 s1, $0x7  }
0xbc: {  	s7 =	sand.u32 $0x3FFFFF80, s7  }
0xbd: {  	v5 =	vld [tilespmem:s7+$0x0];
	_ =	sdelay $0x4  }
0xbe: {  	v6 =	vshrl.u32 v5, $0x1F  }
0xbf: {  	v6 =	vadd.s32 v6, v5  }
0xc0: {  	v6 =	vshrl.u32 v6, $0x1  }
0xc1: {  	v6 =	vshll.u32 v6, $0x1  }
0xc2: {  	v5 =	vsub.s32 v5, v6  }
0xc3: {  	v5 =	vshll.u32 v5, $0x6  }
0xc4: {  	[tilespmem:$0xA400] =	vst v5  }
0xc5: {  	v5 =	vld [tilespmem:s7+$0x10];
	_ =	sdelay $0x4  }
0xc6: {  	v6 =	vshrl.u32 v5, $0x1F  }
0xc7: {  	v6 =	vadd.s32 v6, v5  }
0xc8: {  	v6 =	vshrl.u32 v6, $0x1  }
0xc9: {  	v6 =	vshll.u32 v6, $0x1  }
0xca: {  	v5 =	vsub.s32 v5, v6  }
0xcb: {  	v5 =	vshll.u32 v5, $0x6  }
0xcc: {  	[tilespmem:$0xA410] =	vst v5  }
0xcd: {  	v5 =	vld [tilespmem:s7+$0x20];
	_ =	sdelay $0x4  }
0xce: {  	v6 =	vshrl.u32 v5, $0x1F  }
0xcf: {  	v6 =	vadd.s32 v6, v5  }
0xd0: {  	v6 =	vshrl.u32 v6, $0x1  }
0xd1: {  	v6 =	vshll.u32 v6, $0x1  }
0xd2: {  	v5 =	vsub.s32 v5, v6  }
0xd3: {  	v5 =	vshll.u32 v5, $0x6  }
0xd4: {  	[tilespmem:$0xA420] =	vst v5  }
0xd5: {  	v5 =	vld [tilespmem:s7+$0x30];
	_ =	sdelay $0x4  }
0xd6: {  	v6 =	vshrl.u32 v5, $0x1F  }
0xd7: {  	v6 =	vadd.s32 v6, v5  }
0xd8: {  	v6 =	vshrl.u32 v6, $0x1  }
0xd9: {  	v6 =	vshll.u32 v6, $0x1  }
0xda: {  	v5 =	vsub.s32 v5, v6  }
0xdb: {  	v5 =	vshll.u32 v5, $0x6  }
0xdc: {  	[tilespmem:$0xA430] =	vst v5  }
0xdd: {  	v5 =	vld [tilespmem:s7+$0x40];
	_ =	sdelay $0x4  }
0xde: {  	v6 =	vshrl.u32 v5, $0x1F  }
0xdf: {  	v6 =	vadd.s32 v6, v5  }
0xe0: {  	v6 =	vshrl.u32 v6, $0x1  }
0xe1: {  	v6 =	vshll.u32 v6, $0x1  }
0xe2: {  	v5 =	vsub.s32 v5, v6  }
0xe3: {  	v5 =	vshll.u32 v5, $0x6  }
0xe4: {  	[tilespmem:$0xA440] =	vst v5  }
0xe5: {  	v5 =	vld [tilespmem:s7+$0x50];
	_ =	sdelay $0x4  }
0xe6: {  	v6 =	vshrl.u32 v5, $0x1F  }
0xe7: {  	v6 =	vadd.s32 v6, v5  }
0xe8: {  	v6 =	vshrl.u32 v6, $0x1  }
0xe9: {  	v6 =	vshll.u32 v6, $0x1  }
0xea: {  	v5 =	vsub.s32 v5, v6  }
0xeb: {  	v5 =	vshll.u32 v5, $0x6  }
0xec: {  	[tilespmem:$0xA450] =	vst v5  }
0xed: {  	v5 =	vld [tilespmem:s7+$0x60];
	_ =	sdelay $0x4  }
0xee: {  	v6 =	vshrl.u32 v5, $0x1F  }
0xef: {  	v6 =	vadd.s32 v6, v5  }
0xf0: {  	v6 =	vshrl.u32 v6, $0x1  }
0xf1: {  	v6 =	vshll.u32 v6, $0x1  }
0xf2: {  	v5 =	vsub.s32 v5, v6  }
0xf3: {  	v5 =	vshll.u32 v5, $0x6  }
0xf4: {  	[tilespmem:$0xA460] =	vst v5  }
0xf5: {  	v5 =	vld [tilespmem:s7+$0x70];
	_ =	sdelay $0x4  }
0xf6: {  	s23 =	sand.u32 $0x1, s1;
	v6 =	vshrl.u32 v5, $0x1F  }
0xf7: {  	p1 =	seq.s32 s23, $0x1;
	v6 =	vadd.s32 v6, v5  }
.Ltmp4:
0xf8: {  	v6 =	vshrl.u32 v6, $0x1;
	(pc) =	sbr.rel @!p1 .LBB2_3-.Ltmp4, $4  }
0xf9: {  	v6 =	vshll.u32 v6, $0x1  }
0xfa: {  	v5 =	vsub.s32 v5, v6  }
0xfb: {  	v5 =	vshll.u32 v5, $0x6  }
0xfc: {  	p0 =	slt.u32 s1, $0x2;
	[tilespmem:$0xA470] =	vst v5  }
0xfd: {  	_ =	swait.ge [sflag:s24], $0x4000  }
0xfe: {  	[sflag:s24] =	ssyncset.done $0x0  }
0xff: {  	[sflag:s24] =	ssyncadd.s32 $0xFFFFC000  }
0x100: {  	_ =	swait.ge [sflag:s25], $0x2000  }
0x101: {  	[sflag:s25] =	ssyncset.done $0x0  }
0x102: {  	s7 =	simm.s32 @!p0 $0x4;
	[sflag:s25] =	ssyncadd.s32 $0xFFFFE000  }
0x103: {  	_ =	swait.ge @!p0 [sflag:s7], $0x2000  }
0x104: {  	[sflag:s7] =	ssyncset.done @!p0 $0x0  }
0x105: {  	s8 =	simm.s32 $0x1C980;
	[sflag:s7] =	ssyncadd.s32 @!p0 $0xFFFFE000;
	s7 =	simm.s32 $0x0  }
.LBB2_10:
0x106: {  	s9 =	sshll.u32 s7, $0x4  }
0x107: {  	v5 =	vmov s9;
	v16 =	vld [tilespmem:s9+$0xA400]  }
0x108: {  	v5 =	vshll.u32 v5, $0x8  }
0x109: {  	v5 =	vor.u32 v3, v5  }
0x10a: {  	v5 =	vand.u32 $0x7800, v5  }
0x10b: {  	s12 =	simm.s32 $0x8;
	s14 =	simm.s32 $0x9;
	s9 =	simm.s32 $0xF;
	v17 =	vor.u32 v4, v5  }
0x10c: {  	s15 =	simm.s32 $0xA;
	s16 =	simm.s32 $0xE;
	s17 =	simm.s32 $0x0;
	v19 =	vadd.s32 s9, v16;
	v7 =	vadd.s32 s12, v16;
	v6 =	vadd.s32 s14, v16  }
0x10d: {  	s18 =	simm.s32 $0x4;
	s19 =	simm.s32 $0x6;
	s20 =	simm.s32 $0x2;
	v9 =	vadd.s32 s15, v16;
	v18 =	vadd.s32 s16, v16;
	v21 =	vadd.s32 s17, v16  }
0x10e: {  	s21 =	simm.s32 $0x1;
	v23 =	vadd.s32 s18, v16;
	v26 =	vadd.s32 s19, v16;
	v24 =	vadd.s32 s20, v16  }
0x10f: {  	s15 =	simm.s32 $0xD;
	v27 =	vadd.s32 s21, v16;
	v5 =	vshll.u32 v7, $0x3;
	v8 =	vshll.u32 v6, $0x3  }
0x110: {  	s16 =	simm.s32 $0x3;
	v10 =	vshll.u32 v9, $0x3;
	v15 =	vadd.s32 s15, v16;
	v20 =	vshll.u32 v18, $0x3  }
0x111: {  	v22 =	vshll.u32 v21, $0x3;
	v25 =	vadd.s32 s16, v16;
	v28 =	vshll.u32 v24, $0x3  }
0x112: {  	v24 =	vand.u32 $0x7F, v24;
	v29 =	vshll.u32 v27, $0x3;
	v21 =	vand.u32 $0x7F, v21  }
0x113: {  	v27 =	vand.u32 $0x7F, v27;
	v30 =	vshll.u32 v23, $0x3;
	v31 =	vand.u32 $0x7F, v26  }
0x114: {  	v5 =	vand.u32 $0xFFFFFC00, v5;
	v8 =	vand.u32 $0xFFFFFC00, v8;
	v20 =	vand.u32 $0xFFFFFC00, v20  }
0x115: {  	v22 =	vand.u32 $0xFFFFFC00, v22;
	v28 =	vand.u32 $0xFFFFFC00, v28;
	v29 =	vand.u32 $0xFFFFFC00, v29  }
0x116: {  	s22 =	simm.s32 $0xB;
	v11 =	vadd.s32 v17, v5;
	v8 =	vadd.s32 v17, v8;
	v5 =	vand.u32 $0xFFFFFC00, v10  }
0x117: {  	v10 =	vand.u32 $0x7F, v9;
	v9 =	vadd.s32 s22, v16;
	v22 =	vadd.s32 v17, v22  }
0x118: {  	v29 =	vadd.s32 v17, v29;
	v20 =	vadd.s32 v17, v20;
	v5 =	vadd.s32 v17, v5  }
0x119: {  	v12 =	vshll.u32 v9, $0x3;
	v21 =	vor.u32 v21, v22;
	v22 =	vadd.s32 v17, v28  }
0x11a: {  	s23 =	simm.s32 $0xC;
	v28 =	vshll.u32 v25, $0x3;
	v27 =	vor.u32 v27, v29;
	v25 =	vand.u32 $0x7F, v25  }
0x11b: {  	s22 =	simm.s32 $0x5;
	v5 =	vor.u32 v10, v5;
	v10 =	vadd.s32 s23, v16;
	v12 =	vand.u32 $0xFFFFFC00, v12  }
0x11c: {  	v29 =	vor.u32 v24, v22;
	v22 =	vand.u32 $0xFFFFFC00, v28;
	v24 =	vadd.s32 s22, v16  }
0x11d: {  	s23 =	simm.s32 $0x7;
	v14 =	vshll.u32 v10, $0x3;
	v13 =	vadd.s32 v17, v12;
	v22 =	vadd.s32 v17, v22  }
0x11e: {  	v28 =	vshll.u32 v24, $0x3;
	v24 =	vand.u32 $0x7F, v24;
	v33 =	vadd.s32 s23, v16  }
0x11f: {  	v12 =	vand.u32 $0xFFFFFC00, v14;
	v22 =	vor.u32 v25, v22;
	v25 =	vand.u32 $0xFFFFFC00, v28  }
0x120: {  	v14 =	vshll.u32 v15, $0x3;
	v28 =	vand.u32 $0xFFFFFC00, v30;
	v30 =	vadd.s32 v17, v25;
	v25 =	vld.idx.msk [tilespmem:v21+s31+$0x0], $0xffff  }
0x121: {  	s12 =	simm.s32 $0x8800;
	v63 =	vshll.u32 v33, $0x3;
	v12 =	vadd.s32 v17, v12;
	v30 =	vor.u32 v24, v30;
	v27 =	vld.idx.msk [tilespmem:v27+s31+$0x0], $0xffff  }
0x122: {  	v21 =	vand.u32 $0x7F, v23;
	v23 =	vadd.s32 v17, v28;
	v28 =	vshll.u32 v26, $0x3;
	v24 =	vld [tilespmem:s12+$0xFFFFFD00]  }
0x123: {  	v14 =	vand.u32 $0xFFFFFC00, v14;
	v26 =	vld [tilespmem:s12+$0xFFFFFE80];
	v23 =	vor.u32 v21, v23;
	v21 =	vand.u32 $0xFFFFFC00, v28  }
0x124: {  	v14 =	vadd.s32 v17, v14;
	v28 =	vshll.u32 v19, $0x3;
	v29 =	vld.idx.msk [tilespmem:v29+s31+$0x0], $0xffff;
	v21 =	vadd.s32 v17, v21  }
0x125: {  	s17 =	simm.s32 $0x8800;
	v19 =	vand.u32 $0x7F, v19;
	v32 =	vand.u32 $0xFFFFFC00, v28;
	v28 =	vld.idx.msk [tilespmem:v22+s31+$0x0], $0xffff;
	v22 =	vor.u32 v31, v21  }
0x126: {  	s14 =	smov.u32 s8;
	s15 =	simm.s32 $0x0;
	s16 =	sadd.s32 $0x800, s8;
	v21 =	vadd.s32 v17, v32;
	v31 =	vand.u32 $0x7F, v33;
	v32 =	vand.u32 $0xFFFFFC00, v63;
	v30 =	vld.idx.msk [tilespmem:v30+s31+$0x0], $0xffff  }
.LBB2_11:
0x127: {  	s15 =	sadd.s32 $0x2, s15;
	v32 =	vadd.s32 v17, v32;
	v33 =	vld [tilespmem:s12+$0xFFFFFC80];
	v21 =	vor.u32 v19, v21;
	s9 =	sadd.s32 $0x10, s9;
	s17 =	sadd.s32 $0x800, s17  }
0x128: {  	v18 =	vand.u32 $0x7F, v18;
	s18 =	sadd.s32 $0xFFFFFFF9, s9;
	s19 =	sadd.s32 $0xFFFFFFFA, s9;
	v19 =	vadd.s32 s9, v16;
	p0 =	slt.u32 s15, $0x6;
	v31 =	vor.u32 v31, v32;
	v32 =	vld [tilespmem:s12+$0xFFFFFC00]  }
0x129: {  	s20 =	sadd.s32 $0xFFFFFFFB, s9;
	s21 =	sadd.s32 $0xFFFFFFFC, s9;
	s22 =	sadd.s32 $0xFFFFFFFD, s9;
	v34 =	vadd.s32 s18, v16;
	v35 =	vadd.s32 s19, v16;
	v36 =	vld.idx.msk [tilespmem:v23+s31+$0x0], $0xffff;
	v23 =	vor.u32 v18, v20  }
0x12a: {  	v27 =	vmul.f32 $8.000000000e+00, v27;
	s18 =	sadd.s32 $0xFFFFFFFE, s9;
	s19 =	sadd.s32 $0xFFFFFFFF, s9;
	v18 =	vshll.u32 v34, $0x3;
	v20 =	vshll.u32 v35, $0x3  }
0x12b: {  	v25 =	vmul.f32 $8.000000000e+00, v25;
	v18 =	vand.u32 $0xFFFFFC00, v18;
	v20 =	vand.u32 $0xFFFFFC00, v20;
	v37 =	vld [tilespmem:s12+$0xFFFFFD80]  }
0x12c: {  	v30 =	vmul.f32 $8.000000000e+00, v30;
	v38 =	vadd.s32 v17, v18;
	v18 =	vld [tilespmem:s12+$0xFFFFFE00];
	v27 =	vadd.f32 v33, v27  }
0x12d: {  	v20 =	vadd.s32 v17, v20;
	v33 =	vadd.s32 s20, v16;
	v31 =	vld.idx.msk [tilespmem:v31+s31+$0x0], $0xffff;
	v25 =	vadd.f32 v32, v25  }
0x12e: {  	v28 =	vmul.f32 $8.000000000e+00, v28;
	v29 =	vmul.f32 $8.000000000e+00, v29;
	v26 =	vadd.f32 v26, v30;
	v22 =	vld.idx.msk [tilespmem:v22+s31+$0x0], $0xffff  }
0x12f: {  	v30 =	vand.u32 $0x7F, v33;
	v32 =	vshll.u32 v33, $0x3;
	v33 =	vmul.f32 $8.000000000e+00, v36  }
0x130: {  	v24 =	vadd.f32 v24, v29;
	v32 =	vand.u32 $0xFFFFFC00, v32;
	v36 =	vld [tilespmem:s12+$0xFFFFFF80];
	v28 =	vadd.f32 v37, v28  }
0x131: {  	v29 =	vadd.s32 v17, v32;
	v32 =	vadd.s32 s21, v16;
	v37 =	vld [tilespmem:s12+$0xFFFFFF00];
	v18 =	vadd.f32 v18, v33  }
0x132: {  	v29 =	vor.u32 v30, v29;
	v30 =	vshll.u32 v32, $0x3;
	v33 =	vadd.s32 s22, v16;
	[tilespmem:s14+$0xFFFFFD00] =	vst v24  }
0x133: {  	v24 =	vand.u32 $0xFFFFFC00, v30;
	v30 =	vshll.u32 v33, $0x3;
	[tilespmem:s14+$0xFFFFFD80] =	vst v28;
	v28 =	vmul.f32 $8.000000000e+00, v31  }
0x134: {  	v24 =	vadd.s32 v17, v24;
	v30 =	vand.u32 $0xFFFFFC00, v30;
	v22 =	vmul.f32 $8.000000000e+00, v22;
	[tilespmem:s14+$0xFFFFFE80] =	vst v26  }
0x135: {  	v26 =	vadd.s32 v17, v30;
	[tilespmem:s14+$0xFFFFFC00] =	vst v25;
	v25 =	vadd.f32 v36, v28;
	v28 =	vand.u32 $0x7F, v7;
	v7 =	vmovc v34  }
0x136: {  	v31 =	vand.u32 $0x7F, v6;
	v6 =	vmovc v35;
	[tilespmem:s14+$0xFFFFFE00] =	vst v18;
	v22 =	vadd.f32 v37, v22;
	v28 =	vor.u32 v28, v11  }
0x137: {  	v30 =	vadd.s32 s18, v16;
	v18 =	vadd.s32 s19, v16;
	v11 =	vmovc v38;
	[tilespmem:s14+$0xFFFFFF80] =	vst v25;
	v25 =	vor.u32 v31, v8;
	v8 =	vmovc v20  }
0x138: {  	v20 =	vshll.u32 v30, $0x3;
	v31 =	vshll.u32 v18, $0x3;
	[tilespmem:s14+$0xFFFFFF00] =	vst v22;
	v22 =	vand.u32 $0x7F, v9;
	v9 =	vmovc v32  }
0x139: {  	v20 =	vand.u32 $0xFFFFFC00, v20;
	v32 =	vand.u32 $0x7F, v10;
	v10 =	vmovc v33;
	v22 =	vor.u32 v22, v13;
	v13 =	vmovc v24  }
0x13a: {  	s19 =	sadd.s32 $0xFFFFFFF1, s9;
	v20 =	vadd.s32 v17, v20;
	v24 =	vor.u32 v32, v12;
	v32 =	vand.u32 $0x7F, v15;
	v12 =	vmovc v26;
	[tilespmem:s14+$0xFFFFFC80] =	vst v27  }
0x13b: {  	s20 =	sadd.s32 $0xFFFFFFF5, s9;
	s21 =	sadd.s32 $0xFFFFFFF7, s9;
	s18 =	sadd.s32 $0xFFFFFFF6, s9;
	v26 =	vadd.s32 s19, v16;
	v15 =	vmovc v30;
	v27 =	vand.u32 $0xFFFFFC00, v31;
	v31 =	vor.u32 v32, v14;
	v14 =	vmovc v20;
	v28 =	vld.idx.msk [tilespmem:v28+s31+$0x0], $0xffff  }
0x13c: {  	s23 =	sadd.s32 $0xFFFFFFF4, s9;
	s22 =	sadd.s32 $0xFFFFFFF3, s9;
	s19 =	sadd.s32 $0xFFFFFFF2, s9;
	v30 =	vadd.s32 s20, v16;
	v20 =	vshll.u32 v26, $0x3;
	v32 =	vadd.s32 s21, v16;
	v25 =	vld.idx.msk [tilespmem:v25+s31+$0x0], $0xffff  }
0x13d: {  	v35 =	vadd.s32 s23, v16;
	v34 =	vadd.s32 s22, v16;
	v33 =	vand.u32 $0xFFFFFC00, v20;
	v36 =	vld.idx.msk [tilespmem:v5+s31+$0x0], $0xffff;
	v5 =	vmovc v29  }
0x13e: {  	v37 =	vshll.u32 v34, $0x3;
	v20 =	vadd.s32 v17, v27;
	v29 =	vadd.s32 s19, v16;
	v22 =	vld.idx.msk [tilespmem:v22+s31+$0x0], $0xffff  }
0x13f: {  	v27 =	vand.u32 $0x7F, v34;
	v34 =	vand.u32 $0xFFFFFC00, v37;
	v37 =	vshll.u32 v32, $0x3;
	v24 =	vld.idx.msk [tilespmem:v24+s31+$0x0], $0xffff  }
0x140: {  	v38 =	vshll.u32 v35, $0x3;
	v26 =	vand.u32 $0x7F, v26;
	v34 =	vadd.s32 v17, v34;
	v31 =	vld.idx.msk [tilespmem:v31+s31+$0x0], $0xffff  }
0x141: {  	v34 =	vor.u32 v27, v34;
	v27 =	vand.u32 $0xFFFFFC00, v38;
	v28 =	vmul.f32 $8.000000000e+00, v28;
	v38 =	vld.idx.msk [tilespmem:v23+s31+$0x0], $0xffff  }
0x142: {  	v27 =	vadd.s32 v17, v27;
	v23 =	vshll.u32 v30, $0x3;
	v25 =	vmul.f32 $8.000000000e+00, v25;
	v21 =	vld.idx.msk [tilespmem:v21+s31+$0x0], $0xffff  }
0x143: {  	v35 =	vand.u32 $0x7F, v35;
	v23 =	vand.u32 $0xFFFFFC00, v23;
	v36 =	vmul.f32 $8.000000000e+00, v36;
	v39 =	vld [tilespmem:s12+$0x100]  }
0x144: {  	v33 =	vadd.s32 v17, v33;
	v30 =	vand.u32 $0x7F, v30;
	v23 =	vadd.s32 v17, v23;
	v40 =	vld [tilespmem:s12+$0x80]  }
0x145: {  	v41 =	vshll.u32 v29, $0x3;
	v42 =	vmul.f32 $8.000000000e+00, v22;
	v23 =	vor.u32 v30, v23;
	v30 =	vld [tilespmem:s12+$0x380]  }
0x146: {  	v43 =	vadd.s32 s18, v16;
	v29 =	vand.u32 $0x7F, v29;
	v22 =	vand.u32 $0xFFFFFC00, v37;
	v37 =	vld [tilespmem:s12+$0x300]  }
0x147: {  	v32 =	vand.u32 $0x7F, v32;
	v22 =	vadd.s32 v17, v22;
	v38 =	vmul.f32 $8.000000000e+00, v38;
	v44 =	vld [tilespmem:s12+$0x280]  }
0x148: {  	v45 =	vshll.u32 v43, $0x3;
	v22 =	vor.u32 v32, v22;
	v21 =	vmul.f32 $8.000000000e+00, v21;
	v32 =	vld [tilespmem:s12+$0x180]  }
0x149: {  	v41 =	vand.u32 $0xFFFFFC00, v41;
	v35 =	vor.u32 v35, v27;
	v36 =	vadd.f32 v39, v36;
	v27 =	vld [tilespmem:s12+$0x0]  }
0x14a: {  	v39 =	vand.u32 $0x7F, v43;
	v43 =	vand.u32 $0xFFFFFC00, v45;
	v25 =	vadd.f32 v40, v25;
	v45 =	vld [tilespmem:s12+$0x200];
	s12 =	smov.u32 s17  }
0x14b: {  	v31 =	vmul.f32 $8.000000000e+00, v31;
	v40 =	vadd.s32 v17, v41;
	v41 =	vadd.s32 v17, v43;
	[tilespmem:s14+$0x100] =	vst v36  }
0x14c: {  	v26 =	vor.u32 v26, v33;
	v33 =	vor.u32 v39, v41;
	v21 =	vadd.f32 v30, v21;
	[tilespmem:s14+$0x80] =	vst v25  }
0x14d: {  	v29 =	vor.u32 v29, v40;
	v30 =	vadd.f32 v37, v38;
	v25 =	vadd.f32 v44, v31  }
0x14e: {  	v24 =	vmul.f32 $8.000000000e+00, v24;
	v27 =	vadd.f32 v27, v28;
	v28 =	vadd.f32 v32, v42;
	[tilespmem:s14+$0x380] =	vst v21  }
0x14f: {  	v21 =	vshll.u32 v19, $0x3;
	[tilespmem:s14+$0x280] =	vst v25  }
0x150: {  	v21 =	vand.u32 $0xFFFFFC00, v21;
	v24 =	vadd.f32 v45, v24;
	[tilespmem:s14+$0x300] =	vst v30  }
0x151: {  	v21 =	vadd.s32 v17, v21;
	[tilespmem:s14+$0x180] =	vst v28  }
0x152: {  	[tilespmem:s14+$0x200] =	vst v24  }
0x153: {  	[tilespmem:s14+$0x0] =	vst v27;
	s14 =	smov.u32 s16  }
0x154: {  	v25 =	vld.idx.msk [tilespmem:v26+s31+$0x0], $0xffff  }
0x155: {  	v27 =	vld.idx.msk [tilespmem:v29+s31+$0x0], $0xffff  }
.Ltmp5:
0x156: {  	v24 =	vld [tilespmem:s17+$0xFFFFFD00];
	(pc) =	sbr.rel @p0 .LBB2_11-.Ltmp5, $4  }
0x157: {  	s18 =	sadd.s32 $0xFFFFFFF8, s9;
	v26 =	vld [tilespmem:s17+$0xFFFFFE80]  }
0x158: {  	v30 =	vadd.s32 s18, v16;
	v28 =	vld.idx.msk [tilespmem:v35+s31+$0x0], $0xffff  }
0x159: {  	v31 =	vand.u32 $0x7F, v30;
	v32 =	vshll.u32 v30, $0x3;
	v29 =	vld.idx.msk [tilespmem:v34+s31+$0x0], $0xffff  }
0x15a: {  	v19 =	vand.u32 $0x7F, v19;
	v32 =	vand.u32 $0xFFFFFC00, v32;
	s16 =	sadd.s32 $0x800, s16;
	v30 =	vld.idx.msk [tilespmem:v33+s31+$0x0], $0xffff  }
0x15b: {  	_ = 	snop  }
0x15c: {  	v16 =	vadd.s32 v17, v32;
	v44 =	vld [tilespmem:s12+$0xFFFFFC80]  }
0x15d: {  	v45 =	vld [tilespmem:s12+$0xFFFFFC00];
	v16 =	vor.u32 v31, v16  }
0x15e: {  	v46 =	vld [tilespmem:s12+$0xFFFFFD80]  }
0x15f: {  	v23 =	vld.idx.msk [tilespmem:v23+s31+$0x0], $0xffff  }
0x160: {  	v33 =	vld [tilespmem:s12+$0xFFFFFE00];
	v29 =	vmul.f32 $8.000000000e+00, v29  }
0x161: {  	v22 =	vld.idx.msk [tilespmem:v22+s31+$0x0], $0xffff;
	v28 =	vmul.f32 $8.000000000e+00, v28  }
0x162: {  	v25 =	vmul.f32 $8.000000000e+00, v25;
	v24 =	vadd.f32 v24, v29;
	v16 =	vld.idx.msk [tilespmem:v16+s31+$0x0], $0xffff  }
0x163: {  	v48 =	vld [tilespmem:s12+$0xFFFFFF00];
	v49 =	vmul.f32 $8.000000000e+00, v27;
	v28 =	vadd.f32 v46, v28  }
0x164: {  	v47 =	vld [tilespmem:s12+$0xFFFFFF80];
	v30 =	vmul.f32 $8.000000000e+00, v30;
	v25 =	vadd.f32 v45, v25;
	[tilespmem:s14+$0xFFFFFD00] =	vst v24  }
0x165: {  	v7 =	vand.u32 $0x7F, v7;
	v23 =	vmul.f32 $8.000000000e+00, v23;
	v51 =	vadd.f32 v44, v49;
	[tilespmem:s14+$0xFFFFFD80] =	vst v28  }
0x166: {  	v6 =	vand.u32 $0x7F, v6;
	v22 =	vmul.f32 $8.000000000e+00, v22;
	v26 =	vadd.f32 v26, v30;
	[tilespmem:s14+$0xFFFFFC00] =	vst v25  }
0x167: {  	v7 =	vor.u32 v7, v11;
	v23 =	vadd.f32 v33, v23;
	[tilespmem:s14+$0xFFFFFC80] =	vst v51;
	v16 =	vmul.f32 $8.000000000e+00, v16  }
0x168: {  	v6 =	vor.u32 v6, v8;
	v50 =	vadd.f32 v48, v22;
	[tilespmem:s14+$0xFFFFFE80] =	vst v26  }
0x169: {  	v9 =	vand.u32 $0x7F, v9;
	[tilespmem:s14+$0xFFFFFE00] =	vst v23;
	v16 =	vadd.f32 v47, v16  }
0x16a: {  	v10 =	vand.u32 $0x7F, v10;
	v9 =	vor.u32 v9, v13;
	[tilespmem:s14+$0xFFFFFF00] =	vst v50  }
0x16b: {  	v53 =	vand.u32 $0x7F, v15;
	v52 =	vor.u32 v10, v12;
	[tilespmem:s14+$0xFFFFFF80] =	vst v16  }
0x16c: {  	v54 =	vand.u32 $0x7F, v18;
	v10 =	vor.u32 v53, v14;
	v7 =	vld.idx.msk [tilespmem:v7+s31+$0x0], $0xffff  }
0x16d: {  	v11 =	vor.u32 v54, v20;
	v6 =	vld.idx.msk [tilespmem:v6+s31+$0x0], $0xffff  }
0x16e: {  	v55 =	vor.u32 v19, v21;
	v5 =	vld.idx.msk [tilespmem:v5+s31+$0x0], $0xffff  }
0x16f: {  	v9 =	vld.idx.msk [tilespmem:v9+s31+$0x0], $0xffff  }
0x170: {  	v8 =	vld.idx.msk [tilespmem:v52+s31+$0x0], $0xffff  }
0x171: {  	v10 =	vld.idx.msk [tilespmem:v10+s31+$0x0], $0xffff  }
0x172: {  	v11 =	vld.idx.msk [tilespmem:v11+s31+$0x0], $0xffff  }
0x173: {  	v12 =	vld.idx.msk [tilespmem:v55+s31+$0x0], $0xffff  }
0x174: {  	v56 =	vld [tilespmem:s12+$0x100]  }
0x175: {  	v57 =	vld [tilespmem:s12+$0x80]  }
0x176: {  	v16 =	vld [tilespmem:s12+$0x300]  }
0x177: {  	v58 =	vld [tilespmem:s12+$0x380];
	v5 =	vmul.f32 $8.000000000e+00, v5  }
0x178: {  	v59 =	vld [tilespmem:s12+$0x280];
	v6 =	vmul.f32 $8.000000000e+00, v6  }
0x179: {  	v60 =	vld [tilespmem:s12+$0x180];
	v11 =	vmul.f32 $8.000000000e+00, v11;
	v5 =	vadd.f32 v56, v5  }
0x17a: {  	v62 =	vld [tilespmem:s12+$0x200];
	v12 =	vmul.f32 $8.000000000e+00, v12;
	v6 =	vadd.f32 v57, v6  }
0x17b: {  	v61 =	vld [tilespmem:s12+$0x0];
	v10 =	vmul.f32 $8.000000000e+00, v10;
	v63 =	vadd.f32 v16, v11;
	[tilespmem:s14+$0x100] =	vst v5  }
0x17c: {  	s7 =	sadd.s32 $0x1, s7;
	v9 =	vmul.f32 $8.000000000e+00, v9;
	v5 =	vadd.f32 v58, v12;
	[tilespmem:s14+$0x80] =	vst v6  }
0x17d: {  	p0 =	sne.s32 s7, $0x8;
	v8 =	vmul.f32 $8.000000000e+00, v8;
	v6 =	vadd.f32 v59, v10;
	[tilespmem:s14+$0x300] =	vst v63  }
.Ltmp6:
0x17e: {  	[tilespmem:s14+$0x380] =	vst v5;
	v5 =	vmul.f32 $8.000000000e+00, v7;
	v7 =	vadd.f32 v60, v9;
	(pc) =	sbr.rel @p0 .LBB2_10-.Ltmp6, $4  }
0x17f: {  	[tilespmem:s14+$0x280] =	vst v6;
	v6 =	vadd.f32 v62, v8  }
0x180: {  	v5 =	vadd.f32 v61, v5;
	[tilespmem:s14+$0x180] =	vst v7  }
0x181: {  	[tilespmem:s14+$0x200] =	vst v6  }
0x182: {  	s8 =	sadd.s32 $0x10, s8;
	[tilespmem:s14+$0x0] =	vst v5  }
0x183: {  	p0 =	sgt.u32 s1, $0xC5  }
.Ltmp7:
0x184: {  	s7 =	sshll.u32 s1, $0x12;
	(pc) =	sbr.rel @p0 .LBB2_15-.Ltmp7, $4  }
0x185: {  	s7 =	sor.u32 s4, s7  }
0x186: {  	s7 =	sshrl.u32 s7, $0x3  }
0x187: {  	s7 =	sadd.s32 s2, s7  }
0x188: {  	[hbm4b:s7+s10] =	stream.strided.scatter [tilespmem:s26], [sflag:$0x4], $0x2000, s11, s10, $0x38;
	[tilespmem:$0x1E580] =	vst v63  }
0x189: {  	s7 =	sadd.s32 $0x2, s1  }
0x18a: {  	s8 =	sshll.u32 s7, $0x7  }
0x18b: {  	s8 =	sand.u32 $0x3FFFFF80, s8  }
0x18c: {  	v5 =	vld [tilespmem:s8+$0x0];
	_ =	sdelay $0x4  }
0x18d: {  	v5 =	vshrl.u32 v5, $0x1  }
0x18e: {  	[tilespmem:$0xA500] =	vst v5  }
0x18f: {  	v6 =	vld [tilespmem:s8+$0x10];
	_ =	sdelay $0x4  }
0x190: {  	v6 =	vshrl.u32 v6, $0x1  }
0x191: {  	[tilespmem:$0xA510] =	vst v6  }
0x192: {  	v6 =	vld [tilespmem:s8+$0x20];
	_ =	sdelay $0x4  }
0x193: {  	v6 =	vshrl.u32 v6, $0x1  }
0x194: {  	[tilespmem:$0xA520] =	vst v6  }
0x195: {  	v6 =	vld [tilespmem:s8+$0x30];
	_ =	sdelay $0x4  }
0x196: {  	v6 =	vshrl.u32 v6, $0x1  }
0x197: {  	[tilespmem:$0xA530] =	vst v6  }
0x198: {  	v6 =	vld [tilespmem:s8+$0x40];
	_ =	sdelay $0x4  }
0x199: {  	v6 =	vshrl.u32 v6, $0x1  }
0x19a: {  	[tilespmem:$0xA540] =	vst v6  }
0x19b: {  	v6 =	vld [tilespmem:s8+$0x50];
	_ =	sdelay $0x4  }
0x19c: {  	v6 =	vshrl.u32 v6, $0x1  }
0x19d: {  	[tilespmem:$0xA550] =	vst v6  }
0x19e: {  	v6 =	vld [tilespmem:s8+$0x60];
	_ =	sdelay $0x4  }
0x19f: {  	v6 =	vshrl.u32 v6, $0x1  }
0x1a0: {  	[tilespmem:$0xA560] =	vst v6  }
0x1a1: {  	v7 =	vperm.xlane v5, v0;
	v6 =	vld [tilespmem:s8+$0x70];
	_ =	sdelay $0x1  }
0x1a2: {  	v5 =	vperm.xlane v5, v2;
	v7 =	vadd.s32 v1, v7;
	_ =	sdelay $0x1  }
0x1a3: {  	v5 =	vadd.s32 v1, v5  }
0x1a4: {  	v6 =	vshrl.u32 v6, $0x1  }
0x1a5: {  	[tilespmem:$0xA570] =	vst v6  }
0x1a6: {  	[tilespmem:s31], [sflag:$0x2] =	stream.indirect_vreg.gather [hbm4b:s5+s3], $0x80, v7, vm0, $0xb8;
	[tilespmem:$0x1E580] =	vst v63  }
0x1a7: {  	s20 =	simm.s32 $0x12D80  }
0x1a8: {  	[tilespmem:s20], [sflag:$0x2] =	stream.indirect_vreg.gather [hbm4b:s5+s3], $0x80, v5, vm0, $0xb8;
	[tilespmem:$0x1E580] =	vst v63  }
0x1a9: {  	v5 =	vld [tilespmem:$0xA510];
	_ =	sdelay $0x4  }
0x1aa: {  	v6 =	vperm.xlane v5, v0;
	_ =	sdelay $0x1  }
0x1ab: {  	v5 =	vperm.xlane v5, v2;
	v6 =	vadd.s32 v1, v6;
	_ =	sdelay $0x1  }
0x1ac: {  	v5 =	vadd.s32 v1, v5;
	_ =	sdelay $0x1  }
0x1ad: {  	s21 =	simm.s32 $0x13580  }
0x1ae: {  	[tilespmem:s21], [sflag:$0x2] =	stream.indirect_vreg.gather [hbm4b:s5+s3], $0x80, v6, vm0, $0xb8;
	[tilespmem:$0x1E580] =	vst v63  }
0x1af: {  	s22 =	simm.s32 $0x13D80  }
0x1b0: {  	[tilespmem:s22], [sflag:$0x2] =	stream.indirect_vreg.gather [hbm4b:s5+s3], $0x80, v5, vm0, $0xb8;
	[tilespmem:$0x1E580] =	vst v63  }
0x1b1: {  	v5 =	vld [tilespmem:$0xA520];
	_ =	sdelay $0x4  }
0x1b2: {  	v6 =	vperm.xlane v5, v0;
	_ =	sdelay $0x1  }
0x1b3: {  	v5 =	vperm.xlane v5, v2;
	v6 =	vadd.s32 v1, v6;
	_ =	sdelay $0x1  }
0x1b4: {  	v5 =	vadd.s32 v1, v5;
	_ =	sdelay $0x1  }
0x1b5: {  	s23 =	simm.s32 $0x14580  }
0x1b6: {  	[tilespmem:s23], [sflag:$0x2] =	stream.indirect_vreg.gather [hbm4b:s5+s3], $0x80, v6, vm0, $0xb8;
	[tilespmem:$0x1E580] =	vst v63  }
0x1b7: {  	s9 =	simm.s32 $0x14D80  }
0x1b8: {  	[tilespmem:s9], [sflag:$0x2] =	stream.indirect_vreg.gather [hbm4b:s5+s3], $0x80, v5, vm0, $0xb8;
	[tilespmem:$0x1E580] =	vst v63  }
0x1b9: {  	v5 =	vld [tilespmem:$0xA530];
	_ =	sdelay $0x4  }
0x1ba: {  	v6 =	vperm.xlane v5, v0;
	_ =	sdelay $0x1  }
0x1bb: {  	v5 =	vperm.xlane v5, v2;
	v6 =	vadd.s32 v1, v6;
	_ =	sdelay $0x1  }
0x1bc: {  	v5 =	vadd.s32 v1, v5;
	_ =	sdelay $0x1  }
0x1bd: {  	s12 =	simm.s32 $0x15580  }
0x1be: {  	[tilespmem:s12], [sflag:$0x2] =	stream.indirect_vreg.gather [hbm4b:s5+s3], $0x80, v6, vm0, $0xb8;
	[tilespmem:$0x1E580] =	vst v63  }
0x1bf: {  	s14 =	simm.s32 $0x15D80  }
0x1c0: {  	[tilespmem:s14], [sflag:$0x2] =	stream.indirect_vreg.gather [hbm4b:s5+s3], $0x80, v5, vm0, $0xb8;
	[tilespmem:$0x1E580] =	vst v63  }
0x1c1: {  	v5 =	vld [tilespmem:$0xA540];
	_ =	sdelay $0x4  }
0x1c2: {  	v6 =	vperm.xlane v5, v0;
	_ =	sdelay $0x1  }
0x1c3: {  	v5 =	vperm.xlane v5, v2;
	v6 =	vadd.s32 v1, v6;
	_ =	sdelay $0x1  }
0x1c4: {  	v5 =	vadd.s32 v1, v5;
	_ =	sdelay $0x1  }
0x1c5: {  	s15 =	simm.s32 $0x16580  }
0x1c6: {  	[tilespmem:s15], [sflag:$0x2] =	stream.indirect_vreg.gather [hbm4b:s5+s3], $0x80, v6, vm0, $0xb8;
	[tilespmem:$0x1E580] =	vst v63  }
0x1c7: {  	s16 =	simm.s32 $0x16D80  }
0x1c8: {  	[tilespmem:s16], [sflag:$0x2] =	stream.indirect_vreg.gather [hbm4b:s5+s3], $0x80, v5, vm0, $0xb8;
	[tilespmem:$0x1E580] =	vst v63  }
0x1c9: {  	v5 =	vld [tilespmem:$0xA550];
	_ =	sdelay $0x4  }
0x1ca: {  	v6 =	vperm.xlane v5, v0;
	_ =	sdelay $0x1  }
0x1cb: {  	v5 =	vperm.xlane v5, v2;
	v6 =	vadd.s32 v1, v6;
	_ =	sdelay $0x1  }
0x1cc: {  	v5 =	vadd.s32 v1, v5;
	_ =	sdelay $0x1  }
0x1cd: {  	s17 =	simm.s32 $0x17580  }
0x1ce: {  	[tilespmem:s17], [sflag:$0x2] =	stream.indirect_vreg.gather [hbm4b:s5+s3], $0x80, v6, vm0, $0xb8;
	[tilespmem:$0x1E580] =	vst v63  }
0x1cf: {  	s18 =	simm.s32 $0x17D80  }
0x1d0: {  	[tilespmem:s18], [sflag:$0x2] =	stream.indirect_vreg.gather [hbm4b:s5+s3], $0x80, v5, vm0, $0xb8;
	[tilespmem:$0x1E580] =	vst v63  }
0x1d1: {  	v5 =	vld [tilespmem:$0xA560];
	_ =	sdelay $0x4  }
0x1d2: {  	v6 =	vperm.xlane v5, v0;
	_ =	sdelay $0x1  }
0x1d3: {  	v5 =	vperm.xlane v5, v2;
	v6 =	vadd.s32 v1, v6;
	_ =	sdelay $0x1  }
0x1d4: {  	v5 =	vadd.s32 v1, v5;
	_ =	sdelay $0x1  }
0x1d5: {  	s19 =	simm.s32 $0x18580  }
0x1d6: {  	[tilespmem:s19], [sflag:$0x2] =	stream.indirect_vreg.gather [hbm4b:s5+s3], $0x80, v6, vm0, $0xb8;
	[tilespmem:$0x1E580] =	vst v63  }
0x1d7: {  	s20 =	simm.s32 $0x18D80  }
0x1d8: {  	[tilespmem:s20], [sflag:$0x2] =	stream.indirect_vreg.gather [hbm4b:s5+s3], $0x80, v5, vm0, $0xb8;
	[tilespmem:$0x1E580] =	vst v63  }
0x1d9: {  	v5 =	vld [tilespmem:$0xA570];
	_ =	sdelay $0x4  }
0x1da: {  	v6 =	vperm.xlane v5, v0;
	_ =	sdelay $0x1  }
0x1db: {  	v6 =	vadd.s32 v1, v6  }
0x1dc: {  	v5 =	vperm.xlane v5, v2;
	_ =	sdelay $0x1  }
0x1dd: {  	v5 =	vadd.s32 v1, v5  }
0x1de: {  	s21 =	simm.s32 $0x19580  }
0x1df: {  	[tilespmem:s21], [sflag:$0x2] =	stream.indirect_vreg.gather [hbm4b:s5+s3], $0x80, v6, vm0, $0xb8;
	[tilespmem:$0x1E580] =	vst v63  }
.Ltmp8:
0x1e0: {  	_ = 	snop;
	(pc) =	sbr.rel .LBB2_15-.Ltmp8, $4  }
0x1e1: {  	s7 =	sshll.u32 s7, $0xA;
	s22 =	simm.s32 $0x19D80  }
0x1e2: {  	[tilespmem:s22], [sflag:$0x2] =	stream.indirect_vreg.gather [hbm4b:s5+s3], $0x80, v5, vm0, $0xb8;
	[tilespmem:$0x1E580] =	vst v63  }
0x1e3: {  	s7 =	sadd.s32 s6, s7;
	s23 =	simm.s32 $0x8400  }
0x1e4: {  	[tilespmem:s23], [sflag:$0x6] =	stream.linear.gather [hbm4b:s7+s3], $0x2000, $0x38;
	[tilespmem:$0x1E580] =	vst v63  }
.LBB2_3:
0x1e5: {  	_ =	swait.ge [sflag:s28], $0x4000  }
0x1e6: {  	[sflag:s28] =	ssyncset.done $0x0  }
0x1e7: {  	[sflag:s28] =	ssyncadd.s32 $0xFFFFC000  }
0x1e8: {  	_ =	swait.ge [sflag:s29], $0x2000  }
0x1e9: {  	[sflag:s29] =	ssyncset.done $0x0  }
0x1ea: {  	s7 =	simm.s32 @!p0 $0x3;
	[sflag:s29] =	ssyncadd.s32 $0xFFFFE000  }
0x1eb: {  	_ =	swait.ge @!p0 [sflag:s7], $0x2000  }
0x1ec: {  	[sflag:s7] =	ssyncset.done @!p0 $0x0  }
0x1ed: {  	s14 =	simm.s32 $0x1A980;
	[sflag:s7] =	ssyncadd.s32 @!p0 $0xFFFFE000;
	s7 =	simm.s32 $0x0  }
.LBB2_4:
0x1ee: {  	s8 =	sshll.u32 s7, $0x4  }
0x1ef: {  	v5 =	vmov s8;
	v16 =	vld [tilespmem:s8+$0xA400]  }
0x1f0: {  	v5 =	vshll.u32 v5, $0x8  }
0x1f1: {  	v5 =	vor.u32 v3, v5  }
0x1f2: {  	v5 =	vand.u32 $0x7800, v5  }
0x1f3: {  	s9 =	simm.s32 $0xF;
	s21 =	simm.s32 $0x8;
	s12 =	simm.s32 $0x9;
	v17 =	vor.u32 v4, v5  }
0x1f4: {  	s15 =	simm.s32 $0xA;
	s16 =	simm.s32 $0xE;
	s17 =	simm.s32 $0x0;
	v19 =	vadd.s32 s9, v16;
	v7 =	vadd.s32 s21, v16;
	v6 =	vadd.s32 s12, v16  }
0x1f5: {  	s18 =	simm.s32 $0x4;
	s19 =	simm.s32 $0x6;
	s20 =	simm.s32 $0x2;
	v9 =	vadd.s32 s15, v16;
	v18 =	vadd.s32 s16, v16;
	v21 =	vadd.s32 s17, v16  }
0x1f6: {  	v23 =	vadd.s32 s18, v16;
	v26 =	vadd.s32 s19, v16;
	v24 =	vadd.s32 s20, v16  }
0x1f7: {  	s15 =	simm.s32 $0xD;
	v5 =	vshll.u32 v7, $0x3;
	v8 =	vshll.u32 v6, $0x3;
	v10 =	vshll.u32 v9, $0x3  }
0x1f8: {  	s21 =	simm.s32 $0x1;
	s16 =	simm.s32 $0x3;
	v15 =	vadd.s32 s15, v16;
	v20 =	vshll.u32 v18, $0x3;
	v22 =	vshll.u32 v21, $0x3  }
0x1f9: {  	v25 =	vadd.s32 s16, v16;
	v27 =	vadd.s32 s21, v16;
	v28 =	vshll.u32 v24, $0x3  }
0x1fa: {  	v24 =	vand.u32 $0x7F, v24;
	v21 =	vand.u32 $0x7F, v21;
	v30 =	vshll.u32 v23, $0x3  }
0x1fb: {  	v31 =	vand.u32 $0x7F, v26;
	v5 =	vand.u32 $0xFFFFFC00, v5;
	v8 =	vand.u32 $0xFFFFFC00, v8  }
0x1fc: {  	v20 =	vand.u32 $0xFFFFFC00, v20;
	v22 =	vand.u32 $0xFFFFFC00, v22;
	v28 =	vand.u32 $0xFFFFFC00, v28  }
0x1fd: {  	v29 =	vshll.u32 v27, $0x3;
	v27 =	vand.u32 $0x7F, v27;
	v11 =	vadd.s32 v17, v5  }
0x1fe: {  	s22 =	simm.s32 $0xB;
	v8 =	vadd.s32 v17, v8;
	v5 =	vand.u32 $0xFFFFFC00, v10;
	v10 =	vand.u32 $0x7F, v9  }
0x1ff: {  	v9 =	vadd.s32 s22, v16;
	v22 =	vadd.s32 v17, v22;
	v29 =	vand.u32 $0xFFFFFC00, v29  }
0x200: {  	v20 =	vadd.s32 v17, v20;
	v5 =	vadd.s32 v17, v5;
	v12 =	vshll.u32 v9, $0x3  }
0x201: {  	v29 =	vadd.s32 v17, v29;
	v21 =	vor.u32 v21, v22;
	v22 =	vadd.s32 v17, v28  }
0x202: {  	s23 =	simm.s32 $0xC;
	v28 =	vshll.u32 v25, $0x3;
	v25 =	vand.u32 $0x7F, v25;
	v5 =	vor.u32 v10, v5  }
0x203: {  	s22 =	simm.s32 $0x5;
	v10 =	vadd.s32 s23, v16;
	v12 =	vand.u32 $0xFFFFFC00, v12;
	v27 =	vor.u32 v27, v29  }
0x204: {  	v29 =	vor.u32 v24, v22;
	v22 =	vand.u32 $0xFFFFFC00, v28;
	v24 =	vadd.s32 s22, v16  }
0x205: {  	s23 =	simm.s32 $0x7;
	v14 =	vshll.u32 v10, $0x3;
	v13 =	vadd.s32 v17, v12;
	v22 =	vadd.s32 v17, v22  }
0x206: {  	v28 =	vshll.u32 v24, $0x3;
	v24 =	vand.u32 $0x7F, v24;
	v33 =	vadd.s32 s23, v16  }
0x207: {  	v12 =	vand.u32 $0xFFFFFC00, v14;
	v22 =	vor.u32 v25, v22;
	v25 =	vand.u32 $0xFFFFFC00, v28  }
0x208: {  	s12 =	simm.s32 $0x6800;
	v14 =	vshll.u32 v15, $0x3;
	v28 =	vand.u32 $0xFFFFFC00, v30;
	v30 =	vadd.s32 v17, v25;
	v25 =	vld.idx.msk [tilespmem:v21+s13+$0x0], $0xffff  }
0x209: {  	v63 =	vshll.u32 v33, $0x3;
	v12 =	vadd.s32 v17, v12;
	v30 =	vor.u32 v24, v30;
	v24 =	vld [tilespmem:s12+$0xFFFFFD00]  }
0x20a: {  	v21 =	vand.u32 $0x7F, v23;
	v23 =	vadd.s32 v17, v28;
	v28 =	vshll.u32 v26, $0x3;
	v26 =	vld [tilespmem:s12+$0xFFFFFE80]  }
0x20b: {  	v14 =	vand.u32 $0xFFFFFC00, v14;
	v27 =	vld.idx.msk [tilespmem:v27+s13+$0x0], $0xffff;
	v23 =	vor.u32 v21, v23;
	v21 =	vand.u32 $0xFFFFFC00, v28  }
0x20c: {  	v14 =	vadd.s32 v17, v14;
	v28 =	vshll.u32 v19, $0x3;
	v29 =	vld.idx.msk [tilespmem:v29+s13+$0x0], $0xffff;
	v21 =	vadd.s32 v17, v21  }
0x20d: {  	s8 =	smov.u32 s14;
	v19 =	vand.u32 $0x7F, v19;
	v32 =	vand.u32 $0xFFFFFC00, v28;
	v28 =	vld.idx.msk [tilespmem:v22+s13+$0x0], $0xffff;
	v22 =	vor.u32 v31, v21  }
0x20e: {  	s17 =	simm.s32 $0x6800;
	s15 =	simm.s32 $0x0;
	s16 =	sadd.s32 $0x800, s14;
	v21 =	vadd.s32 v17, v32;
	v31 =	vand.u32 $0x7F, v33;
	v32 =	vand.u32 $0xFFFFFC00, v63;
	v30 =	vld.idx.msk [tilespmem:v30+s13+$0x0], $0xffff  }
.LBB2_5:
0x20f: {  	s15 =	sadd.s32 $0x2, s15;
	v32 =	vadd.s32 v17, v32;
	v33 =	vld [tilespmem:s12+$0xFFFFFC80];
	v21 =	vor.u32 v19, v21;
	s9 =	sadd.s32 $0x10, s9;
	s17 =	sadd.s32 $0x800, s17  }
0x210: {  	v18 =	vand.u32 $0x7F, v18;
	s18 =	sadd.s32 $0xFFFFFFF9, s9;
	s19 =	sadd.s32 $0xFFFFFFFA, s9;
	v19 =	vadd.s32 s9, v16;
	p0 =	slt.u32 s15, $0x6;
	v31 =	vor.u32 v31, v32;
	v32 =	vld [tilespmem:s12+$0xFFFFFC00]  }
0x211: {  	s20 =	sadd.s32 $0xFFFFFFFB, s9;
	s21 =	sadd.s32 $0xFFFFFFFC, s9;
	s22 =	sadd.s32 $0xFFFFFFFD, s9;
	v34 =	vadd.s32 s18, v16;
	v35 =	vadd.s32 s19, v16;
	v36 =	vld.idx.msk [tilespmem:v23+s13+$0x0], $0xffff;
	v23 =	vor.u32 v18, v20  }
0x212: {  	v27 =	vmul.f32 $8.000000000e+00, v27;
	s18 =	sadd.s32 $0xFFFFFFFE, s9;
	s19 =	sadd.s32 $0xFFFFFFFF, s9;
	v18 =	vshll.u32 v34, $0x3;
	v20 =	vshll.u32 v35, $0x3  }
0x213: {  	v25 =	vmul.f32 $8.000000000e+00, v25;
	v18 =	vand.u32 $0xFFFFFC00, v18;
	v20 =	vand.u32 $0xFFFFFC00, v20;
	v37 =	vld [tilespmem:s12+$0xFFFFFD80]  }
0x214: {  	v30 =	vmul.f32 $8.000000000e+00, v30;
	v38 =	vadd.s32 v17, v18;
	v18 =	vld [tilespmem:s12+$0xFFFFFE00];
	v27 =	vadd.f32 v33, v27  }
0x215: {  	v20 =	vadd.s32 v17, v20;
	v33 =	vadd.s32 s20, v16;
	v31 =	vld.idx.msk [tilespmem:v31+s13+$0x0], $0xffff;
	v25 =	vadd.f32 v32, v25  }
0x216: {  	v28 =	vmul.f32 $8.000000000e+00, v28;
	v29 =	vmul.f32 $8.000000000e+00, v29;
	v26 =	vadd.f32 v26, v30;
	v22 =	vld.idx.msk [tilespmem:v22+s13+$0x0], $0xffff  }
0x217: {  	v30 =	vand.u32 $0x7F, v33;
	v32 =	vshll.u32 v33, $0x3;
	v33 =	vmul.f32 $8.000000000e+00, v36  }
0x218: {  	v24 =	vadd.f32 v24, v29;
	v32 =	vand.u32 $0xFFFFFC00, v32;
	v36 =	vld [tilespmem:s12+$0xFFFFFF80];
	v28 =	vadd.f32 v37, v28  }
0x219: {  	v29 =	vadd.s32 v17, v32;
	v32 =	vadd.s32 s21, v16;
	v37 =	vld [tilespmem:s12+$0xFFFFFF00];
	v18 =	vadd.f32 v18, v33  }
0x21a: {  	v29 =	vor.u32 v30, v29;
	v30 =	vshll.u32 v32, $0x3;
	v33 =	vadd.s32 s22, v16;
	[tilespmem:s8+$0xFFFFFD00] =	vst v24  }
0x21b: {  	v24 =	vand.u32 $0xFFFFFC00, v30;
	v30 =	vshll.u32 v33, $0x3;
	[tilespmem:s8+$0xFFFFFD80] =	vst v28;
	v28 =	vmul.f32 $8.000000000e+00, v31  }
0x21c: {  	v24 =	vadd.s32 v17, v24;
	v30 =	vand.u32 $0xFFFFFC00, v30;
	v22 =	vmul.f32 $8.000000000e+00, v22;
	[tilespmem:s8+$0xFFFFFE80] =	vst v26  }
0x21d: {  	v26 =	vadd.s32 v17, v30;
	[tilespmem:s8+$0xFFFFFC00] =	vst v25;
	v25 =	vadd.f32 v36, v28;
	v28 =	vand.u32 $0x7F, v7;
	v7 =	vmovc v34  }
0x21e: {  	v31 =	vand.u32 $0x7F, v6;
	v6 =	vmovc v35;
	[tilespmem:s8+$0xFFFFFE00] =	vst v18;
	v22 =	vadd.f32 v37, v22;
	v28 =	vor.u32 v28, v11  }
0x21f: {  	v30 =	vadd.s32 s18, v16;
	v18 =	vadd.s32 s19, v16;
	v11 =	vmovc v38;
	[tilespmem:s8+$0xFFFFFF80] =	vst v25;
	v25 =	vor.u32 v31, v8;
	v8 =	vmovc v20  }
0x220: {  	v20 =	vshll.u32 v30, $0x3;
	v31 =	vshll.u32 v18, $0x3;
	[tilespmem:s8+$0xFFFFFF00] =	vst v22;
	v22 =	vand.u32 $0x7F, v9;
	v9 =	vmovc v32  }
0x221: {  	v20 =	vand.u32 $0xFFFFFC00, v20;
	v32 =	vand.u32 $0x7F, v10;
	v10 =	vmovc v33;
	v22 =	vor.u32 v22, v13;
	v13 =	vmovc v24  }
0x222: {  	s19 =	sadd.s32 $0xFFFFFFF1, s9;
	v20 =	vadd.s32 v17, v20;
	v24 =	vor.u32 v32, v12;
	v32 =	vand.u32 $0x7F, v15;
	v12 =	vmovc v26;
	[tilespmem:s8+$0xFFFFFC80] =	vst v27  }
0x223: {  	s20 =	sadd.s32 $0xFFFFFFF5, s9;
	s21 =	sadd.s32 $0xFFFFFFF7, s9;
	s18 =	sadd.s32 $0xFFFFFFF6, s9;
	v26 =	vadd.s32 s19, v16;
	v15 =	vmovc v30;
	v27 =	vand.u32 $0xFFFFFC00, v31;
	v31 =	vor.u32 v32, v14;
	v14 =	vmovc v20;
	v28 =	vld.idx.msk [tilespmem:v28+s13+$0x0], $0xffff  }
0x224: {  	s23 =	sadd.s32 $0xFFFFFFF4, s9;
	s22 =	sadd.s32 $0xFFFFFFF3, s9;
	s19 =	sadd.s32 $0xFFFFFFF2, s9;
	v30 =	vadd.s32 s20, v16;
	v20 =	vshll.u32 v26, $0x3;
	v32 =	vadd.s32 s21, v16;
	v25 =	vld.idx.msk [tilespmem:v25+s13+$0x0], $0xffff  }
0x225: {  	v35 =	vadd.s32 s23, v16;
	v34 =	vadd.s32 s22, v16;
	v33 =	vand.u32 $0xFFFFFC00, v20;
	v36 =	vld.idx.msk [tilespmem:v5+s13+$0x0], $0xffff;
	v5 =	vmovc v29  }
0x226: {  	v37 =	vshll.u32 v34, $0x3;
	v20 =	vadd.s32 v17, v27;
	v29 =	vadd.s32 s19, v16;
	v22 =	vld.idx.msk [tilespmem:v22+s13+$0x0], $0xffff  }
0x227: {  	v27 =	vand.u32 $0x7F, v34;
	v34 =	vand.u32 $0xFFFFFC00, v37;
	v37 =	vshll.u32 v32, $0x3;
	v24 =	vld.idx.msk [tilespmem:v24+s13+$0x0], $0xffff  }
0x228: {  	v38 =	vshll.u32 v35, $0x3;
	v26 =	vand.u32 $0x7F, v26;
	v34 =	vadd.s32 v17, v34;
	v31 =	vld.idx.msk [tilespmem:v31+s13+$0x0], $0xffff  }
0x229: {  	v34 =	vor.u32 v27, v34;
	v27 =	vand.u32 $0xFFFFFC00, v38;
	v28 =	vmul.f32 $8.000000000e+00, v28;
	v38 =	vld.idx.msk [tilespmem:v23+s13+$0x0], $0xffff  }
0x22a: {  	v27 =	vadd.s32 v17, v27;
	v23 =	vshll.u32 v30, $0x3;
	v25 =	vmul.f32 $8.000000000e+00, v25;
	v21 =	vld.idx.msk [tilespmem:v21+s13+$0x0], $0xffff  }
0x22b: {  	v35 =	vand.u32 $0x7F, v35;
	v23 =	vand.u32 $0xFFFFFC00, v23;
	v36 =	vmul.f32 $8.000000000e+00, v36;
	v39 =	vld [tilespmem:s12+$0x100]  }
0x22c: {  	v33 =	vadd.s32 v17, v33;
	v30 =	vand.u32 $0x7F, v30;
	v23 =	vadd.s32 v17, v23;
	v40 =	vld [tilespmem:s12+$0x80]  }
0x22d: {  	v41 =	vshll.u32 v29, $0x3;
	v42 =	vmul.f32 $8.000000000e+00, v22;
	v23 =	vor.u32 v30, v23;
	v30 =	vld [tilespmem:s12+$0x380]  }
0x22e: {  	v43 =	vadd.s32 s18, v16;
	v29 =	vand.u32 $0x7F, v29;
	v22 =	vand.u32 $0xFFFFFC00, v37;
	v37 =	vld [tilespmem:s12+$0x300]  }
0x22f: {  	v32 =	vand.u32 $0x7F, v32;
	v22 =	vadd.s32 v17, v22;
	v38 =	vmul.f32 $8.000000000e+00, v38;
	v44 =	vld [tilespmem:s12+$0x280]  }
0x230: {  	v45 =	vshll.u32 v43, $0x3;
	v22 =	vor.u32 v32, v22;
	v21 =	vmul.f32 $8.000000000e+00, v21;
	v32 =	vld [tilespmem:s12+$0x180]  }
0x231: {  	v41 =	vand.u32 $0xFFFFFC00, v41;
	v35 =	vor.u32 v35, v27;
	v36 =	vadd.f32 v39, v36;
	v27 =	vld [tilespmem:s12+$0x0]  }
0x232: {  	v39 =	vand.u32 $0x7F, v43;
	v43 =	vand.u32 $0xFFFFFC00, v45;
	v25 =	vadd.f32 v40, v25;
	v45 =	vld [tilespmem:s12+$0x200];
	s12 =	smov.u32 s17  }
0x233: {  	v31 =	vmul.f32 $8.000000000e+00, v31;
	v40 =	vadd.s32 v17, v41;
	v41 =	vadd.s32 v17, v43;
	[tilespmem:s8+$0x100] =	vst v36  }
0x234: {  	v26 =	vor.u32 v26, v33;
	v33 =	vor.u32 v39, v41;
	v21 =	vadd.f32 v30, v21;
	[tilespmem:s8+$0x80] =	vst v25  }
0x235: {  	v29 =	vor.u32 v29, v40;
	v30 =	vadd.f32 v37, v38;
	v25 =	vadd.f32 v44, v31  }
0x236: {  	v24 =	vmul.f32 $8.000000000e+00, v24;
	v27 =	vadd.f32 v27, v28;
	v28 =	vadd.f32 v32, v42;
	[tilespmem:s8+$0x380] =	vst v21  }
0x237: {  	v21 =	vshll.u32 v19, $0x3;
	[tilespmem:s8+$0x280] =	vst v25  }
0x238: {  	v21 =	vand.u32 $0xFFFFFC00, v21;
	v24 =	vadd.f32 v45, v24;
	[tilespmem:s8+$0x300] =	vst v30  }
0x239: {  	v21 =	vadd.s32 v17, v21;
	[tilespmem:s8+$0x180] =	vst v28  }
0x23a: {  	[tilespmem:s8+$0x200] =	vst v24  }
0x23b: {  	[tilespmem:s8+$0x0] =	vst v27;
	s8 =	smov.u32 s16  }
0x23c: {  	v25 =	vld.idx.msk [tilespmem:v26+s13+$0x0], $0xffff  }
0x23d: {  	v27 =	vld.idx.msk [tilespmem:v29+s13+$0x0], $0xffff  }
.Ltmp9:
0x23e: {  	v24 =	vld [tilespmem:s17+$0xFFFFFD00];
	(pc) =	sbr.rel @p0 .LBB2_5-.Ltmp9, $4  }
0x23f: {  	s18 =	sadd.s32 $0xFFFFFFF8, s9;
	v26 =	vld [tilespmem:s17+$0xFFFFFE80]  }
0x240: {  	v30 =	vadd.s32 s18, v16;
	v28 =	vld.idx.msk [tilespmem:v35+s13+$0x0], $0xffff  }
0x241: {  	v31 =	vand.u32 $0x7F, v30;
	v32 =	vshll.u32 v30, $0x3;
	v29 =	vld.idx.msk [tilespmem:v34+s13+$0x0], $0xffff  }
0x242: {  	v19 =	vand.u32 $0x7F, v19;
	v32 =	vand.u32 $0xFFFFFC00, v32;
	s16 =	sadd.s32 $0x800, s16;
	v30 =	vld.idx.msk [tilespmem:v33+s13+$0x0], $0xffff  }
0x243: {  	_ = 	snop  }
0x244: {  	v16 =	vadd.s32 v17, v32;
	v44 =	vld [tilespmem:s12+$0xFFFFFC80]  }
0x245: {  	v45 =	vld [tilespmem:s12+$0xFFFFFC00];
	v16 =	vor.u32 v31, v16  }
0x246: {  	v46 =	vld [tilespmem:s12+$0xFFFFFD80]  }
0x247: {  	v23 =	vld.idx.msk [tilespmem:v23+s13+$0x0], $0xffff  }
0x248: {  	v33 =	vld [tilespmem:s12+$0xFFFFFE00];
	v29 =	vmul.f32 $8.000000000e+00, v29  }
0x249: {  	v22 =	vld.idx.msk [tilespmem:v22+s13+$0x0], $0xffff;
	v28 =	vmul.f32 $8.000000000e+00, v28  }
0x24a: {  	v25 =	vmul.f32 $8.000000000e+00, v25;
	v24 =	vadd.f32 v24, v29;
	v16 =	vld.idx.msk [tilespmem:v16+s13+$0x0], $0xffff  }
0x24b: {  	v48 =	vld [tilespmem:s12+$0xFFFFFF00];
	v49 =	vmul.f32 $8.000000000e+00, v27;
	v28 =	vadd.f32 v46, v28  }
0x24c: {  	v47 =	vld [tilespmem:s12+$0xFFFFFF80];
	v30 =	vmul.f32 $8.000000000e+00, v30;
	v25 =	vadd.f32 v45, v25;
	[tilespmem:s8+$0xFFFFFD00] =	vst v24  }
0x24d: {  	v7 =	vand.u32 $0x7F, v7;
	v23 =	vmul.f32 $8.000000000e+00, v23;
	v51 =	vadd.f32 v44, v49;
	[tilespmem:s8+$0xFFFFFD80] =	vst v28  }
0x24e: {  	v6 =	vand.u32 $0x7F, v6;
	v22 =	vmul.f32 $8.000000000e+00, v22;
	v26 =	vadd.f32 v26, v30;
	[tilespmem:s8+$0xFFFFFC00] =	vst v25  }
0x24f: {  	v7 =	vor.u32 v7, v11;
	v23 =	vadd.f32 v33, v23;
	[tilespmem:s8+$0xFFFFFC80] =	vst v51;
	v16 =	vmul.f32 $8.000000000e+00, v16  }
0x250: {  	v6 =	vor.u32 v6, v8;
	v50 =	vadd.f32 v48, v22;
	[tilespmem:s8+$0xFFFFFE80] =	vst v26  }
0x251: {  	v9 =	vand.u32 $0x7F, v9;
	[tilespmem:s8+$0xFFFFFE00] =	vst v23;
	v16 =	vadd.f32 v47, v16  }
0x252: {  	v10 =	vand.u32 $0x7F, v10;
	v9 =	vor.u32 v9, v13;
	[tilespmem:s8+$0xFFFFFF00] =	vst v50  }
0x253: {  	v53 =	vand.u32 $0x7F, v15;
	v52 =	vor.u32 v10, v12;
	[tilespmem:s8+$0xFFFFFF80] =	vst v16  }
0x254: {  	v54 =	vand.u32 $0x7F, v18;
	v10 =	vor.u32 v53, v14;
	v7 =	vld.idx.msk [tilespmem:v7+s13+$0x0], $0xffff  }
0x255: {  	v11 =	vor.u32 v54, v20;
	v6 =	vld.idx.msk [tilespmem:v6+s13+$0x0], $0xffff  }
0x256: {  	v55 =	vor.u32 v19, v21;
	v5 =	vld.idx.msk [tilespmem:v5+s13+$0x0], $0xffff  }
0x257: {  	v9 =	vld.idx.msk [tilespmem:v9+s13+$0x0], $0xffff  }
0x258: {  	v8 =	vld.idx.msk [tilespmem:v52+s13+$0x0], $0xffff  }
0x259: {  	v10 =	vld.idx.msk [tilespmem:v10+s13+$0x0], $0xffff  }
0x25a: {  	v11 =	vld.idx.msk [tilespmem:v11+s13+$0x0], $0xffff  }
0x25b: {  	v12 =	vld.idx.msk [tilespmem:v55+s13+$0x0], $0xffff  }
0x25c: {  	v56 =	vld [tilespmem:s12+$0x100]  }
0x25d: {  	v57 =	vld [tilespmem:s12+$0x80]  }
0x25e: {  	v16 =	vld [tilespmem:s12+$0x300]  }
0x25f: {  	v58 =	vld [tilespmem:s12+$0x380];
	v5 =	vmul.f32 $8.000000000e+00, v5  }
0x260: {  	v59 =	vld [tilespmem:s12+$0x280];
	v6 =	vmul.f32 $8.000000000e+00, v6  }
0x261: {  	v60 =	vld [tilespmem:s12+$0x180];
	v11 =	vmul.f32 $8.000000000e+00, v11;
	v5 =	vadd.f32 v56, v5  }
0x262: {  	v62 =	vld [tilespmem:s12+$0x200];
	v12 =	vmul.f32 $8.000000000e+00, v12;
	v6 =	vadd.f32 v57, v6  }
0x263: {  	v61 =	vld [tilespmem:s12+$0x0];
	v10 =	vmul.f32 $8.000000000e+00, v10;
	v63 =	vadd.f32 v16, v11;
	[tilespmem:s8+$0x100] =	vst v5  }
0x264: {  	s7 =	sadd.s32 $0x1, s7;
	v9 =	vmul.f32 $8.000000000e+00, v9;
	v5 =	vadd.f32 v58, v12;
	[tilespmem:s8+$0x80] =	vst v6  }
0x265: {  	p0 =	sne.s32 s7, $0x8;
	v8 =	vmul.f32 $8.000000000e+00, v8;
	v6 =	vadd.f32 v59, v10;
	[tilespmem:s8+$0x300] =	vst v63  }
.Ltmp10:
0x266: {  	[tilespmem:s8+$0x380] =	vst v5;
	v5 =	vmul.f32 $8.000000000e+00, v7;
	v7 =	vadd.f32 v60, v9;
	(pc) =	sbr.rel @p0 .LBB2_4-.Ltmp10, $4  }
0x267: {  	[tilespmem:s8+$0x280] =	vst v6;
	v6 =	vadd.f32 v62, v8  }
0x268: {  	v5 =	vadd.f32 v61, v5;
	[tilespmem:s8+$0x180] =	vst v7  }
0x269: {  	[tilespmem:s8+$0x200] =	vst v6  }
0x26a: {  	s14 =	sadd.s32 $0x10, s14;
	[tilespmem:s8+$0x0] =	vst v5  }
0x26b: {  	p0 =	sgt.u32 s1, $0xC5  }
.Ltmp11:
0x26c: {  	s7 =	sshll.u32 s1, $0x12;
	(pc) =	sbr.rel @p0 .LBB2_15-.Ltmp11, $4  }
0x26d: {  	s7 =	sor.u32 s4, s7  }
0x26e: {  	s7 =	sshrl.u32 s7, $0x3  }
0x26f: {  	s7 =	sadd.s32 s2, s7  }
0x270: {  	[hbm4b:s7+s10] =	stream.strided.scatter [tilespmem:s30], [sflag:$0x3], $0x2000, s11, s10, $0x38;
	[tilespmem:$0x1E580] =	vst v63  }
0x271: {  	s7 =	sadd.s32 $0x2, s1  }
0x272: {  	s8 =	sshll.u32 s7, $0x7  }
0x273: {  	s8 =	sand.u32 $0x3FFFFF80, s8  }
0x274: {  	v5 =	vld [tilespmem:s8+$0x0];
	_ =	sdelay $0x4  }
0x275: {  	v5 =	vshrl.u32 v5, $0x1  }
0x276: {  	[tilespmem:$0xA480] =	vst v5  }
0x277: {  	v6 =	vld [tilespmem:s8+$0x10];
	_ =	sdelay $0x4  }
0x278: {  	v6 =	vshrl.u32 v6, $0x1  }
0x279: {  	[tilespmem:$0xA490] =	vst v6  }
0x27a: {  	v6 =	vld [tilespmem:s8+$0x20];
	_ =	sdelay $0x4  }
0x27b: {  	v6 =	vshrl.u32 v6, $0x1  }
0x27c: {  	[tilespmem:$0xA4A0] =	vst v6  }
0x27d: {  	v6 =	vld [tilespmem:s8+$0x30];
	_ =	sdelay $0x4  }
0x27e: {  	v6 =	vshrl.u32 v6, $0x1  }
0x27f: {  	[tilespmem:$0xA4B0] =	vst v6  }
0x280: {  	v6 =	vld [tilespmem:s8+$0x40];
	_ =	sdelay $0x4  }
0x281: {  	v6 =	vshrl.u32 v6, $0x1  }
0x282: {  	[tilespmem:$0xA4C0] =	vst v6  }
0x283: {  	v6 =	vld [tilespmem:s8+$0x50];
	_ =	sdelay $0x4  }
0x284: {  	v6 =	vshrl.u32 v6, $0x1  }
0x285: {  	[tilespmem:$0xA4D0] =	vst v6  }
0x286: {  	v6 =	vld [tilespmem:s8+$0x60];
	_ =	sdelay $0x4  }
0x287: {  	v6 =	vshrl.u32 v6, $0x1  }
0x288: {  	[tilespmem:$0xA4E0] =	vst v6  }
0x289: {  	v7 =	vperm.xlane v5, v0;
	v6 =	vld [tilespmem:s8+$0x70];
	_ =	sdelay $0x1  }
0x28a: {  	v5 =	vperm.xlane v5, v2;
	v7 =	vadd.s32 v1, v7;
	_ =	sdelay $0x1  }
0x28b: {  	v5 =	vadd.s32 v1, v5  }
0x28c: {  	v6 =	vshrl.u32 v6, $0x1  }
0x28d: {  	[tilespmem:$0xA4F0] =	vst v6  }
0x28e: {  	[tilespmem:s13], [sflag:$0x1] =	stream.indirect_vreg.gather [hbm4b:s5+s3], $0x80, v7, vm0, $0xb8;
	[tilespmem:$0x1E580] =	vst v63  }
0x28f: {  	s20 =	simm.s32 $0xAD80  }
0x290: {  	[tilespmem:s20], [sflag:$0x1] =	stream.indirect_vreg.gather [hbm4b:s5+s3], $0x80, v5, vm0, $0xb8;
	[tilespmem:$0x1E580] =	vst v63  }
0x291: {  	v5 =	vld [tilespmem:$0xA490];
	_ =	sdelay $0x4  }
0x292: {  	v6 =	vperm.xlane v5, v0;
	_ =	sdelay $0x1  }
0x293: {  	v5 =	vperm.xlane v5, v2;
	v6 =	vadd.s32 v1, v6;
	_ =	sdelay $0x1  }
0x294: {  	v5 =	vadd.s32 v1, v5;
	_ =	sdelay $0x1  }
0x295: {  	s21 =	simm.s32 $0xB580  }
0x296: {  	[tilespmem:s21], [sflag:$0x1] =	stream.indirect_vreg.gather [hbm4b:s5+s3], $0x80, v6, vm0, $0xb8;
	[tilespmem:$0x1E580] =	vst v63  }
0x297: {  	s22 =	simm.s32 $0xBD80  }
0x298: {  	[tilespmem:s22], [sflag:$0x1] =	stream.indirect_vreg.gather [hbm4b:s5+s3], $0x80, v5, vm0, $0xb8;
	[tilespmem:$0x1E580] =	vst v63  }
0x299: {  	v5 =	vld [tilespmem:$0xA4A0];
	_ =	sdelay $0x4  }
0x29a: {  	v6 =	vperm.xlane v5, v0;
	_ =	sdelay $0x1  }
0x29b: {  	v5 =	vperm.xlane v5, v2;
	v6 =	vadd.s32 v1, v6;
	_ =	sdelay $0x1  }
0x29c: {  	v5 =	vadd.s32 v1, v5;
	_ =	sdelay $0x1  }
0x29d: {  	s23 =	simm.s32 $0xC580  }
0x29e: {  	[tilespmem:s23], [sflag:$0x1] =	stream.indirect_vreg.gather [hbm4b:s5+s3], $0x80, v6, vm0, $0xb8;
	[tilespmem:$0x1E580] =	vst v63  }
0x29f: {  	s9 =	simm.s32 $0xCD80  }
0x2a0: {  	[tilespmem:s9], [sflag:$0x1] =	stream.indirect_vreg.gather [hbm4b:s5+s3], $0x80, v5, vm0, $0xb8;
	[tilespmem:$0x1E580] =	vst v63  }
0x2a1: {  	v5 =	vld [tilespmem:$0xA4B0];
	_ =	sdelay $0x4  }
0x2a2: {  	v6 =	vperm.xlane v5, v0;
	_ =	sdelay $0x1  }
0x2a3: {  	v5 =	vperm.xlane v5, v2;
	v6 =	vadd.s32 v1, v6;
	_ =	sdelay $0x1  }
0x2a4: {  	v5 =	vadd.s32 v1, v5;
	_ =	sdelay $0x1  }
0x2a5: {  	s12 =	simm.s32 $0xD580  }
0x2a6: {  	[tilespmem:s12], [sflag:$0x1] =	stream.indirect_vreg.gather [hbm4b:s5+s3], $0x80, v6, vm0, $0xb8;
	[tilespmem:$0x1E580] =	vst v63  }
0x2a7: {  	s14 =	simm.s32 $0xDD80  }
0x2a8: {  	[tilespmem:s14], [sflag:$0x1] =	stream.indirect_vreg.gather [hbm4b:s5+s3], $0x80, v5, vm0, $0xb8;
	[tilespmem:$0x1E580] =	vst v63  }
0x2a9: {  	v5 =	vld [tilespmem:$0xA4C0];
	_ =	sdelay $0x4  }
0x2aa: {  	v6 =	vperm.xlane v5, v0;
	_ =	sdelay $0x1  }
0x2ab: {  	v5 =	vperm.xlane v5, v2;
	v6 =	vadd.s32 v1, v6;
	_ =	sdelay $0x1  }
0x2ac: {  	v5 =	vadd.s32 v1, v5;
	_ =	sdelay $0x1  }
0x2ad: {  	s15 =	simm.s32 $0xE580  }
0x2ae: {  	[tilespmem:s15], [sflag:$0x1] =	stream.indirect_vreg.gather [hbm4b:s5+s3], $0x80, v6, vm0, $0xb8;
	[tilespmem:$0x1E580] =	vst v63  }
0x2af: {  	s16 =	simm.s32 $0xED80  }
0x2b0: {  	[tilespmem:s16], [sflag:$0x1] =	stream.indirect_vreg.gather [hbm4b:s5+s3], $0x80, v5, vm0, $0xb8;
	[tilespmem:$0x1E580] =	vst v63  }
0x2b1: {  	v5 =	vld [tilespmem:$0xA4D0];
	_ =	sdelay $0x4  }
0x2b2: {  	v6 =	vperm.xlane v5, v0;
	_ =	sdelay $0x1  }
0x2b3: {  	v5 =	vperm.xlane v5, v2;
	v6 =	vadd.s32 v1, v6;
	_ =	sdelay $0x1  }
0x2b4: {  	v5 =	vadd.s32 v1, v5;
	_ =	sdelay $0x1  }
0x2b5: {  	s17 =	simm.s32 $0xF580  }
0x2b6: {  	[tilespmem:s17], [sflag:$0x1] =	stream.indirect_vreg.gather [hbm4b:s5+s3], $0x80, v6, vm0, $0xb8;
	[tilespmem:$0x1E580] =	vst v63  }
0x2b7: {  	s18 =	simm.s32 $0xFD80  }
0x2b8: {  	[tilespmem:s18], [sflag:$0x1] =	stream.indirect_vreg.gather [hbm4b:s5+s3], $0x80, v5, vm0, $0xb8;
	[tilespmem:$0x1E580] =	vst v63  }
0x2b9: {  	v5 =	vld [tilespmem:$0xA4E0];
	_ =	sdelay $0x4  }
0x2ba: {  	v6 =	vperm.xlane v5, v0;
	_ =	sdelay $0x1  }
0x2bb: {  	v5 =	vperm.xlane v5, v2;
	v6 =	vadd.s32 v1, v6;
	_ =	sdelay $0x1  }
0x2bc: {  	v5 =	vadd.s32 v1, v5;
	_ =	sdelay $0x1  }
0x2bd: {  	s19 =	simm.s32 $0x10580  }
0x2be: {  	[tilespmem:s19], [sflag:$0x1] =	stream.indirect_vreg.gather [hbm4b:s5+s3], $0x80, v6, vm0, $0xb8;
	[tilespmem:$0x1E580] =	vst v63  }
0x2bf: {  	s20 =	simm.s32 $0x10D80  }
0x2c0: {  	[tilespmem:s20], [sflag:$0x1] =	stream.indirect_vreg.gather [hbm4b:s5+s3], $0x80, v5, vm0, $0xb8;
	[tilespmem:$0x1E580] =	vst v63  }
0x2c1: {  	v5 =	vld [tilespmem:$0xA4F0];
	_ =	sdelay $0x4  }
0x2c2: {  	v6 =	vperm.xlane v5, v0;
	_ =	sdelay $0x1  }
0x2c3: {  	v6 =	vadd.s32 v1, v6  }
0x2c4: {  	v5 =	vperm.xlane v5, v2;
	_ =	sdelay $0x1  }
0x2c5: {  	v5 =	vadd.s32 v1, v5  }
0x2c6: {  	s21 =	simm.s32 $0x11580  }
0x2c7: {  	[tilespmem:s21], [sflag:$0x1] =	stream.indirect_vreg.gather [hbm4b:s5+s3], $0x80, v6, vm0, $0xb8;
	[tilespmem:$0x1E580] =	vst v63  }
.Ltmp12:
0x2c8: {  	_ = 	snop;
	(pc) =	sbr.rel .LBB2_15-.Ltmp12, $4  }
0x2c9: {  	s7 =	sshll.u32 s7, $0xA;
	s22 =	simm.s32 $0x11D80  }
0x2ca: {  	[tilespmem:s22], [sflag:$0x1] =	stream.indirect_vreg.gather [hbm4b:s5+s3], $0x80, v5, vm0, $0xb8;
	[tilespmem:$0x1E580] =	vst v63  }
0x2cb: {  	s7 =	sadd.s32 s6, s7;
	s23 =	simm.s32 $0x6400  }
0x2cc: {  	[tilespmem:s23], [sflag:$0x5] =	stream.linear.gather [hbm4b:s7+s3], $0x2000, $0x38;
	[tilespmem:$0x1E580] =	vst v63  }
.LBB2_17:
0x2cd: {  	_ =	sfence.sel $0x180000  }
0x2ce: {  	[bflag:$0x0] =	sbarrier.arrive $0xFFFF  }
0x2cf: {  	_ =	strace $0x90000047  }
0x2d0: {  	s0 =	stileid.u32;
	[bflag:$0x2] =	sbarrier.arrive $0xFFFF  }
0x2d1: {  	p0 =	sne.s32 s0, $0x0;
	s0 =	rddreg [dreg:$0x3]  }
0x2d2: {  	s0 =	sadd.s32 @!p0 $0x100000, s0  }
0x2d3: {  	[sflag:s0] =	ssyncadd.tile.s32 @!p0 $0x1;
	_ =	shalt  }
.Lfunc_end2:
_tile_overlayer_lowered:
.L_overlay_start_2:
0x2d4: {  	(tag) =	ssettag $0x2  }
0x2d5: {  	s0 =	rddreg [dreg:$0x0];
	s2 =	stileid.u32  }
0x2d6: {  	s1 =	rddreg [dreg:$0x1];
	p0 =	sne.s32 s2, $0x0  }
0x2d7: {  	s3 =	rddreg [dreg:$0x2];
	[bflag:$0x3] =	sbarrier.arrive $0xFFFF;
	s2 =	simm.s32 @!p0 $0x1C07  }
0x2d8: {  	[timem:s3], [sflag:s2] =	dma.local @!p0 [hbm:s0], s1  }
0x2d9: {  	s0 =	simm.s32 @!p0 $0x7  }
0x2da: {  	_ =	swait.ge @!p0 [sflag:s0], s1  }
0x2db: {  	s1 =	ssub.s32 @!p0 $0x0, s1;
	[sflag:s0] =	ssyncset.done @!p0 $0x0  }
0x2dc: {  	[sflag:s0] =	ssyncadd.s32 @!p0 s1  }
0x2dd: {  	[bflag:$0x3] =	sbarrier.arrive $0xFFFF  }
0x2de: {  	_ =	shalt  }

</sc_bundles>
